<compile_context>
chip_gen: v7x
topology: tpu7x:2x2x1
jax: 0.10.2.dev20260603
libtpu: 0.0.44.dev20260713+nightly
codegen_flags: <defaults>
</compile_context>

<pallas_src>
import functools

import jax
import jax.numpy as jnp
from jax import lax
from jax.experimental import pallas as pl
from jax.experimental.pallas import tpu as pltpu
from jax.experimental.pallas import tpu_sc as plsc

N_CATEGORIES = 1000000
D = 32
B = 16384
NC, NS, L = 2, 16, 16
NW = NC * NS
BPW = B // NW
ROWTILES = BPW // L


def _rsqrt(x):
    i = lax.bitcast_convert_type(x, jnp.int32)
    i = jnp.int32(0x5F3759DF) - (i >> 1)
    y = lax.bitcast_convert_type(i, jnp.float32)
    xh = x * jnp.float32(-0.5)
    for _ in range(3):
        y = y * (jnp.float32(1.5) + xh * y * y)
    return y


def _encoder_body(idx_hbm, table_hbm, out_hbm, idx_v, rows_v, sem):
    wid = lax.axis_index("s") * NC + lax.axis_index("c")
    base = wid * BPW

    pltpu.sync_copy(idx_hbm.at[pl.ds(base, BPW)], idx_v)

    def fire(g, carry):
        iv = idx_v[pl.ds(g * L, L)]
        for j in range(L):
            pltpu.async_copy(table_hbm.at[iv[j]], rows_v.at[g * L + j], sem)
        return carry

    lax.fori_loop(0, BPW // L, fire, 0)
    pltpu.make_async_copy(table_hbm.at[pl.ds(0, BPW)], rows_v, sem).wait()

    lane = lax.iota(jnp.int32, L)

    def tile_body(t, carry):
        rid = t * L + lane
        cols = []
        ss = None
        for j in range(D):
            cid = jnp.full((L,), j, jnp.int32)
            cj = plsc.load_gather(rows_v, [rid, cid])
            cols.append(cj)
            ss = cj * cj if ss is None else ss + cj * cj
        inv = _rsqrt(ss)
        for j in range(D):
            cid = jnp.full((L,), j, jnp.int32)
            plsc.store_scatter(rows_v, [rid, cid], cols[j] * inv)
        return carry

    lax.fori_loop(0, ROWTILES, tile_body, 0)

    pltpu.sync_copy(rows_v, out_hbm.at[pl.ds(base, BPW)])


_encoder = functools.partial(
    pl.kernel,
    out_type=jax.ShapeDtypeStruct((B, D), jnp.float32),
    mesh=plsc.VectorSubcoreMesh(core_axis_name="c", subcore_axis_name="s"),
    compiler_params=pltpu.CompilerParams(needs_layout_passes=False),
    scratch_types=[
        pltpu.VMEM((BPW,), jnp.int32),
        pltpu.VMEM((BPW, D), jnp.float32),
        pltpu.SemaphoreType.DMA,
    ],
)(_encoder_body)


def kernel(src, categories_means, categories_logvars):
    del categories_logvars
    return _encoder(src.astype(jnp.int32), categories_means)

# --- scband reference (transcript-rebuilt; emitter-appended) ---
"""Pipeline reference for scband-categorical-encoder-4990751998494 (READ-ONLY COPY).

The authoritative reference and input builder live on the scoring server;
editing this copy changes nothing except your own understanding.
"""

import jax, jax.numpy as jnp
import numpy as np

N_CATEGORIES = 1000000
OUTPUT_SIZE = 32
BATCH = 16384

def setup_inputs(seed: int = 0) -> dict:
    key = jax.random.key(seed)
    k1, k2, k3 = jax.random.split(key, 3)
    src = jax.random.randint(k1, (BATCH,), 0, N_CATEGORIES, dtype=jnp.int64)
    categories_means = jax.random.normal(k2, (N_CATEGORIES, OUTPUT_SIZE), dtype=jnp.float32)
    categories_logvars = jax.random.normal(k3, (N_CATEGORIES, OUTPUT_SIZE), dtype=jnp.float32)
    return {"src": src, "categories_means": categories_means, "categories_logvars": categories_logvars}

def reference(src, categories_means, categories_logvars):
    # Deterministic (eval-mode) path of CategoricalEncoder.forward:
    # means = categories_means[src]; norm_means = means / ||means||
    means = jnp.take(categories_means, src, axis=0)
    norms = jnp.linalg.norm(means, axis=-1, keepdims=True)
    norm_means = means / norms
    return norm_means

if __name__ == "__main__":
    import jax
    _d = setup_inputs()
    print(jax.jit(kernel)(*tuple(_d.values())))

</pallas_src>

<mosaic_0001>
#map = affine_map<(d0, d1) -> (0)>
#map1 = affine_map<(d0, d1) -> (0, 0)>
module attributes {stable_mosaic.version = 14 : i64} {
  func.func @_encoder_body(%arg0: i32, %arg1: i32, %arg2: memref<16384xi32, #tpu.memory_space<hbm>>, %arg3: memref<1000000x32xf32, #tpu.memory_space<hbm>>, %arg4: memref<16384x32xf32, #tpu.memory_space<hbm>>, %arg5: memref<512xi32, #tpu.memory_space<vmem>>, %arg6: memref<512x32xf32, #tpu.memory_space<vmem>>, %arg7: memref<!tpu.dma_semaphore, #tpu.memory_space<semaphore_mem>>) attributes {dimension_semantics = [#tpu.dimension_semantics<core_parallel>, #tpu.dimension_semantics<subcore_parallel>], iteration_bounds = array<i64: 2, 16>, scalar_prefetch = 0 : i64, scratch_operands = 3 : i64, tpu.core_type = #tpu.core_type<sc_vector_subcore>, window_params = [{transform_indices = #map}, {transform_indices = #map1}, {transform_indices = #map1}]} {
    %mul3A = arith.constant 2 : i32
    %mul3A_0 = arith.muli %arg1, %mul3A : i32
    %add3A = arith.addi %mul3A_0, %arg0 : i32
    %mul3A_1 = arith.constant 512 : i32
    %mul3A_2 = arith.muli %add3A, %mul3A_1 : i32
    "tpu.region"() ({
      %run_scoped3A = tpu.sem_alloc : memref<!tpu.dma_semaphore, #tpu.memory_space<semaphore_mem>>
      %dma_start3A = tpu.memref_slice %arg2[%mul3A_2] : memref<16384xi32, #tpu.memory_space<hbm>> -> memref<512xi32, #tpu.memory_space<hbm>>
      %dma_start3A_19 = tpu.memref_slice %arg2[%mul3A_2] : memref<16384xi32, #tpu.memory_space<hbm>> -> memref<512xi32, #tpu.memory_space<hbm>>
      tpu.enqueue_dma source(%dma_start3A_19 : memref<512xi32, #tpu.memory_space<hbm>>) target(%arg5 : memref<512xi32, #tpu.memory_space<vmem>>) target_semaphore(%run_scoped3A : memref<!tpu.dma_semaphore, #tpu.memory_space<semaphore_mem>>)
      %dma_wait3A_20 = tpu.memref_slice %arg2[%mul3A_2] : memref<16384xi32, #tpu.memory_space<hbm>> -> memref<512xi32, #tpu.memory_space<hbm>>
      %dma_wait3A_21 = tpu.memref_slice %arg2[%mul3A_2] : memref<16384xi32, #tpu.memory_space<hbm>> -> memref<512xi32, #tpu.memory_space<hbm>>
      tpu.wait_dma2 semaphore(%run_scoped3A : memref<!tpu.dma_semaphore, #tpu.memory_space<semaphore_mem>>) src(%dma_wait3A_21 : memref<512xi32, #tpu.memory_space<hbm>>) dst(%arg5 : memref<512xi32, #tpu.memory_space<vmem>>)
      tpu.yield
    }) : () -> ()
    %scan3A = arith.constant 0 : i32
    %scan3A_3 = arith.constant 0 : i32
    %scan3A_4 = arith.constant 32 : i32
    %scan3A_5 = arith.addi %scan3A_3, %scan3A_4 : i32
    %scan3A_6 = arith.constant 1 : i32
    scf.for %scan3A_19 = %scan3A_3 to %scan3A_5 step %scan3A_6  : i32 {
      %mul3A_20 = arith.constant 16 : i32
      %mul3A_21 = arith.muli %scan3A_19, %mul3A_20 : i32
      %get3A = arith.index_cast %mul3A_21 : i32 to index
      %get3A_22 = tpu.vector_load %arg5[%get3A] {strides = array<i32>} : memref<512xi32, #tpu.memory_space<vmem>>, vector<16xi32>,
      %slice3A = vector.extract_strided_slice %get3A_22 {offsets = [0], sizes = [1], strides = [1]} : vector<16xi32> to vector<1xi32>
      %squeeze3A = vector.extract %slice3A[0] : i32 from vector<1xi32>
      %mul3A_23 = arith.constant 16 : i32
      %mul3A_24 = arith.muli %scan3A_19, %mul3A_23 : i32
      %add3A_25 = arith.constant 0 : i32
      %add3A_26 = arith.addi %mul3A_24, %add3A_25 : i32
      %dma_start3A = arith.constant 0 : i32
      %dma_start3A_27 = tpu.memref_slice %arg6[%add3A_26, %dma_start3A] : memref<512x32xf32, #tpu.memory_space<vmem>> -> memref<1x32xf32, #tpu.memory_space<vmem>>
      %dma_start3A_28 = tpu.memref_squeeze %dma_start3A_27 : memref<1x32xf32, #tpu.memory_space<vmem>> -> memref<32xf32, #tpu.memory_space<vmem>>
      %dma_start3A_29 = arith.constant 0 : i32
      %dma_start3A_30 = tpu.memref_slice %arg3[%squeeze3A, %dma_start3A_29] : memref<1000000x32xf32, #tpu.memory_space<hbm>> -> memref<1x32xf32, #tpu.memory_space<hbm>>
      %dma_start3A_31 = tpu.memref_squeeze %dma_start3A_30 : memref<1x32xf32, #tpu.memory_space<hbm>> -> memref<32xf32, #tpu.memory_space<hbm>>
      %dma_start3A_32 = arith.constant 0 : i32
      %dma_start3A_33 = tpu.memref_slice %arg6[%add3A_26, %dma_start3A_32] : memref<512x32xf32, #tpu.memory_space<vmem>> -> memref<1x32xf32, #tpu.memory_space<vmem>>
      %dma_start3A_34 = tpu.memref_squeeze %dma_start3A_33 : memref<1x32xf32, #tpu.memory_space<vmem>> -> memref<32xf32, #tpu.memory_space<vmem>>
      %dma_start3A_35 = arith.constant 0 : i32
      %dma_start3A_36 = tpu.memref_slice %arg3[%squeeze3A, %dma_start3A_35] : memref<1000000x32xf32, #tpu.memory_space<hbm>> -> memref<1x32xf32, #tpu.memory_space<hbm>>
      %dma_start3A_37 = tpu.memref_squeeze %dma_start3A_36 : memref<1x32xf32, #tpu.memory_space<hbm>> -> memref<32xf32, #tpu.memory_space<hbm>>
      tpu.enqueue_dma source(%dma_start3A_37 : memref<32xf32, #tpu.memory_space<hbm>>) target(%dma_start3A_34 : memref<32xf32, #tpu.memory_space<vmem>>) target_semaphore(%arg7 : memref<!tpu.dma_semaphore, #tpu.memory_space<semaphore_mem>>)
      %slice3A_38 = vector.extract_strided_slice %get3A_22 {offsets = [1], sizes = [1], strides = [1]} : vector<16xi32> to vector<1xi32>
      %squeeze3A_39 = vector.extract %slice3A_38[0] : i32 from vector<1xi32>
      %mul3A_40 = arith.constant 16 : i32
      %mul3A_41 = arith.muli %scan3A_19, %mul3A_40 : i32
      %add3A_42 = arith.constant 1 : i32
      %add3A_43 = arith.addi %mul3A_41, %add3A_42 : i32
      %dma_start3A_44 = arith.constant 0 : i32
      %dma_start3A_45 = tpu.memref_slice %arg6[%add3A_43, %dma_start3A_44] : memref<512x32xf32, #tpu.memory_space<vmem>> -> memref<1x32xf32, #tpu.memory_space<vmem>>
      %dma_start3A_46 = tpu.memref_squeeze %dma_start3A_45 : memref<1x32xf32, #tpu.memory_space<vmem>> -> memref<32xf32, #tpu.memory_space<vmem>>
      %dma_start3A_47 = arith.constant 0 : i32
      %dma_start3A_48 = tpu.memref_slice %arg3[%squeeze3A_39, %dma_start3A_47] : memref<1000000x32xf32, #tpu.memory_space<hbm>> -> memref<1x32xf32, #tpu.memory_space<hbm>>
      %dma_start3A_49 = tpu.memref_squeeze %dma_start3A_48 : memref<1x32xf32, #tpu.memory_space<hbm>> -> memref<32xf32, #tpu.memory_space<hbm>>
      %dma_start3A_50 = arith.constant 0 : i32
      %dma_start3A_51 = tpu.memref_slice %arg6[%add3A_43, %dma_start3A_50] : memref<512x32xf32, #tpu.memory_space<vmem>> -> memref<1x32xf32, #tpu.memory_space<vmem>>
      %dma_start3A_52 = tpu.memref_squeeze %dma_start3A_51 : memref<1x32xf32, #tpu.memory_space<vmem>> -> memref<32xf32, #tpu.memory_space<vmem>>
      %dma_start3A_53 = arith.constant 0 : i32
      %dma_start3A_54 = tpu.memref_slice %arg3[%squeeze3A_39, %dma_start3A_53] : memref<1000000x32xf32, #tpu.memory_space<hbm>> -> memref<1x32xf32, #tpu.memory_space<hbm>>
      %dma_start3A_55 = tpu.memref_squeeze %dma_start3A_54 : memref<1x32xf32, #tpu.memory_space<hbm>> -> memref<32xf32, #tpu.memory_space<hbm>>
      tpu.enqueue_dma source(%dma_start3A_55 : memref<32xf32, #tpu.memory_space<hbm>>) target(%dma_start3A_52 : memref<32xf32, #tpu.memory_space<vmem>>) target_semaphore(%arg7 : memref<!tpu.dma_semaphore, #tpu.memory_space<semaphore_mem>>)
      %slice3A_56 = vector.extract_strided_slice %get3A_22 {offsets = [2], sizes = [1], strides = [1]} : vector<16xi32> to vector<1xi32>
      %squeeze3A_57 = vector.extract %slice3A_56[0] : i32 from vector<1xi32>
      %mul3A_58 = arith.constant 16 : i32
      %mul3A_59 = arith.muli %scan3A_19, %mul3A_58 : i32
      %add3A_60 = arith.constant 2 : i32
      %add3A_61 = arith.addi %mul3A_59, %add3A_60 : i32
      %dma_start3A_62 = arith.constant 0 : i32
      %dma_start3A_63 = tpu.memref_slice %arg6[%add3A_61, %dma_start3A_62] : memref<512x32xf32, #tpu.memory_space<vmem>> -> memref<1x32xf32, #tpu.memory_space<vmem>>
      %dma_start3A_64 = tpu.memref_squeeze %dma_start3A_63 : memref<1x32xf32, #tpu.memory_space<vmem>> -> memref<32xf32, #tpu.memory_space<vmem>>
      %dma_start3A_65 = arith.constant 0 : i32
      %dma_start3A_66 = tpu.memref_slice %arg3[%squeeze3A_57, %dma_start3A_65] : memref<1000000x32xf32, #tpu.memory_space<hbm>> -> memref<1x32xf32, #tpu.memory_space<hbm>>
      %dma_start3A_67 = tpu.memref_squeeze %dma_start3A_66 : memref<1x32xf32, #tpu.memory_space<hbm>> -> memref<32xf32, #tpu.memory_space<hbm>>
      %dma_start3A_68 = arith.constant 0 : i32
      %dma_start3A_69 = tpu.memref_slice %arg6[%add3A_61, %dma_start3A_68] : memref<512x32xf32, #tpu.memory_space<vmem>> -> memref<1x32xf32, #tpu.memory_space<vmem>>
      %dma_start3A_70 = tpu.memref_squeeze %dma_start3A_69 : memref<1x32xf32, #tpu.memory_space<vmem>> -> memref<32xf32, #tpu.memory_space<vmem>>
      %dma_start3A_71 = arith.constant 0 : i32
      %dma_start3A_72 = tpu.memref_slice %arg3[%squeeze3A_57, %dma_start3A_71] : memref<1000000x32xf32, #tpu.memory_space<hbm>> -> memref<1x32xf32, #tpu.memory_space<hbm>>
      %dma_start3A_73 = tpu.memref_squeeze %dma_start3A_72 : memref<1x32xf32, #tpu.memory_space<hbm>> -> memref<32xf32, #tpu.memory_space<hbm>>
      tpu.enqueue_dma source(%dma_start3A_73 : memref<32xf32, #tpu.memory_space<hbm>>) target(%dma_start3A_70 : memref<32xf32, #tpu.memory_space<vmem>>) target_semaphore(%arg7 : memref<!tpu.dma_semaphore, #tpu.memory_space<semaphore_mem>>)
      %slice3A_74 = vector.extract_strided_slice %get3A_22 {offsets = [3], sizes = [1], strides = [1]} : vector<16xi32> to vector<1xi32>
      %squeeze3A_75 = vector.extract %slice3A_74[0] : i32 from vector<1xi32>
      %mul3A_76 = arith.constant 16 : i32
      %mul3A_77 = arith.muli %scan3A_19, %mul3A_76 : i32
      %add3A_78 = arith.constant 3 : i32
      %add3A_79 = arith.addi %mul3A_77, %add3A_78 : i32
      %dma_start3A_80 = arith.constant 0 : i32
      %dma_start3A_81 = tpu.memref_slice %arg6[%add3A_79, %dma_start3A_80] : memref<512x32xf32, #tpu.memory_space<vmem>> -> memref<1x32xf32, #tpu.memory_space<vmem>>
      %dma_start3A_82 = tpu.memref_squeeze %dma_start3A_81 : memref<1x32xf32, #tpu.memory_space<vmem>> -> memref<32xf32, #tpu.memory_space<vmem>>
      %dma_start3A_83 = arith.constant 0 : i32
      %dma_start3A_84 = tpu.memref_slice %arg3[%squeeze3A_75, %dma_start3A_83] : memref<1000000x32xf32, #tpu.memory_space<hbm>> -> memref<1x32xf32, #tpu.memory_space<hbm>>
      %dma_start3A_85 = tpu.memref_squeeze %dma_start3A_84 : memref<1x32xf32, #tpu.memory_space<hbm>> -> memref<32xf32, #tpu.memory_space<hbm>>
      %dma_start3A_86 = arith.constant 0 : i32
      %dma_start3A_87 = tpu.memref_slice %arg6[%add3A_79, %dma_start3A_86] : memref<512x32xf32, #tpu.memory_space<vmem>> -> memref<1x32xf32, #tpu.memory_space<vmem>>
      %dma_start3A_88 = tpu.memref_squeeze %dma_start3A_87 : memref<1x32xf32, #tpu.memory_space<vmem>> -> memref<32xf32, #tpu.memory_space<vmem>>
      %dma_start3A_89 = arith.constant 0 : i32
      %dma_start3A_90 = tpu.memref_slice %arg3[%squeeze3A_75, %dma_start3A_89] : memref<1000000x32xf32, #tpu.memory_space<hbm>> -> memref<1x32xf32, #tpu.memory_space<hbm>>
      %dma_start3A_91 = tpu.memref_squeeze %dma_start3A_90 : memref<1x32xf32, #tpu.memory_space<hbm>> -> memref<32xf32, #tpu.memory_space<hbm>>
      tpu.enqueue_dma source(%dma_start3A_91 : memref<32xf32, #tpu.memory_space<hbm>>) target(%dma_start3A_88 : memref<32xf32, #tpu.memory_space<vmem>>) target_semaphore(%arg7 : memref<!tpu.dma_semaphore, #tpu.memory_space<semaphore_mem>>)
      %slice3A_92 = vector.extract_strided_slice %get3A_22 {offsets = [4], sizes = [1], strides = [1]} : vector<16xi32> to vector<1xi32>
      %squeeze3A_93 = vector.extract %slice3A_92[0] : i32 from vector<1xi32>
      %mul3A_94 = arith.constant 16 : i32
      %mul3A_95 = arith.muli %scan3A_19, %mul3A_94 : i32
      %add3A_96 = arith.constant 4 : i32
      %add3A_97 = arith.addi %mul3A_95, %add3A_96 : i32
      %dma_start3A_98 = arith.constant 0 : i32
      %dma_start3A_99 = tpu.memref_slice %arg6[%add3A_97, %dma_start3A_98] : memref<512x32xf32, #tpu.memory_space<vmem>> -> memref<1x32xf32, #tpu.memory_space<vmem>>
      %dma_start3A_100 = tpu.memref_squeeze %dma_start3A_99 : memref<1x32xf32, #tpu.memory_space<vmem>> -> memref<32xf32, #tpu.memory_space<vmem>>
      %dma_start3A_101 = arith.constant 0 : i32
      %dma_start3A_102 = tpu.memref_slice %arg3[%squeeze3A_93, %dma_start3A_101] : memref<1000000x32xf32, #tpu.memory_space<hbm>> -> memref<1x32xf32, #tpu.memory_space<hbm>>
      %dma_start3A_103 = tpu.memref_squeeze %dma_start3A_102 : memref<1x32xf32, #tpu.memory_space<hbm>> -> memref<32xf32, #tpu.memory_space<hbm>>
      %dma_start3A_104 = arith.constant 0 : i32
      %dma_start3A_105 = tpu.memref_slice %arg6[%add3A_97, %dma_start3A_104] : memref<512x32xf32, #tpu.memory_space<vmem>> -> memref<1x32xf32, #tpu.memory_space<vmem>>
      %dma_start3A_106 = tpu.memref_squeeze %dma_start3A_105 : memref<1x32xf32, #tpu.memory_space<vmem>> -> memref<32xf32, #tpu.memory_space<vmem>>
      %dma_start3A_107 = arith.constant 0 : i32
      %dma_start3A_108 = tpu.memref_slice %arg3[%squeeze3A_93, %dma_start3A_107] : memref<1000000x32xf32, #tpu.memory_space<hbm>> -> memref<1x32xf32, #tpu.memory_space<hbm>>
      %dma_start3A_109 = tpu.memref_squeeze %dma_start3A_108 : memref<1x32xf32, #tpu.memory_space<hbm>> -> memref<32xf32, #tpu.memory_space<hbm>>
      tpu.enqueue_dma source(%dma_start3A_109 : memref<32xf32, #tpu.memory_space<hbm>>) target(%dma_start3A_106 : memref<32xf32, #tpu.memory_space<vmem>>) target_semaphore(%arg7 : memref<!tpu.dma_semaphore, #tpu.memory_space<semaphore_mem>>)
      %slice3A_110 = vector.extract_strided_slice %get3A_22 {offsets = [5], sizes = [1], strides = [1]} : vector<16xi32> to vector<1xi32>
      %squeeze3A_111 = vector.extract %slice3A_110[0] : i32 from vector<1xi32>
      %mul3A_112 = arith.constant 16 : i32
      %mul3A_113 = arith.muli %scan3A_19, %mul3A_112 : i32
      %add3A_114 = arith.constant 5 : i32
      %add3A_115 = arith.addi %mul3A_113, %add3A_114 : i32
      %dma_start3A_116 = arith.constant 0 : i32
      %dma_start3A_117 = tpu.memref_slice %arg6[%add3A_115, %dma_start3A_116] : memref<512x32xf32, #tpu.memory_space<vmem>> -> memref<1x32xf32, #tpu.memory_space<vmem>>
      %dma_start3A_118 = tpu.memref_squeeze %dma_start3A_117 : memref<1x32xf32, #tpu.memory_space<vmem>> -> memref<32xf32, #tpu.memory_space<vmem>>
      %dma_start3A_119 = arith.constant 0 : i32
      %dma_start3A_120 = tpu.memref_slice %arg3[%squeeze3A_111, %dma_start3A_119] : memref<1000000x32xf32, #tpu.memory_space<hbm>> -> memref<1x32xf32, #tpu.memory_space<hbm>>
      %dma_start3A_121 = tpu.memref_squeeze %dma_start3A_120 : memref<1x32xf32, #tpu.memory_space<hbm>> -> memref<32xf32, #tpu.memory_space<hbm>>
      %dma_start3A_122 = arith.constant 0 : i32
      %dma_start3A_123 = tpu.memref_slice %arg6[%add3A_115, %dma_start3A_122] : memref<512x32xf32, #tpu.memory_space<vmem>> -> memref<1x32xf32, #tpu.memory_space<vmem>>
      %dma_start3A_124 = tpu.memref_squeeze %dma_start3A_123 : memref<1x32xf32, #tpu.memory_space<vmem>> -> memref<32xf32, #tpu.memory_space<vmem>>
      %dma_start3A_125 = arith.constant 0 : i32
      %dma_start3A_126 = tpu.memref_slice %arg3[%squeeze3A_111, %dma_start3A_125] : memref<1000000x32xf32, #tpu.memory_space<hbm>> -> memref<1x32xf32, #tpu.memory_space<hbm>>
      %dma_start3A_127 = tpu.memref_squeeze %dma_start3A_126 : memref<1x32xf32, #tpu.memory_space<hbm>> -> memref<32xf32, #tpu.memory_space<hbm>>
      tpu.enqueue_dma source(%dma_start3A_127 : memref<32xf32, #tpu.memory_space<hbm>>) target(%dma_start3A_124 : memref<32xf32, #tpu.memory_space<vmem>>) target_semaphore(%arg7 : memref<!tpu.dma_semaphore, #tpu.memory_space<semaphore_mem>>)
      %slice3A_128 = vector.extract_strided_slice %get3A_22 {offsets = [6], sizes = [1], strides = [1]} : vector<16xi32> to vector<1xi32>
      %squeeze3A_129 = vector.extract %slice3A_128[0] : i32 from vector<1xi32>
      %mul3A_130 = arith.constant 16 : i32
      %mul3A_131 = arith.muli %scan3A_19, %mul3A_130 : i32
      %add3A_132 = arith.constant 6 : i32
      %add3A_133 = arith.addi %mul3A_131, %add3A_132 : i32
      %dma_start3A_134 = arith.constant 0 : i32
      %dma_start3A_135 = tpu.memref_slice %arg6[%add3A_133, %dma_start3A_134] : memref<512x32xf32, #tpu.memory_space<vmem>> -> memref<1x32xf32, #tpu.memory_space<vmem>>
      %dma_start3A_136 = tpu.memref_squeeze %dma_start3A_135 : memref<1x32xf32, #tpu.memory_space<vmem>> -> memref<32xf32, #tpu.memory_space<vmem>>
      %dma_start3A_137 = arith.constant 0 : i32
      %dma_start3A_138 = tpu.memref_slice %arg3[%squeeze3A_129, %dma_start3A_137] : memref<1000000x32xf32, #tpu.memory_space<hbm>> -> memref<1x32xf32, #tpu.memory_space<hbm>>
      %dma_start3A_139 = tpu.memref_squeeze %dma_start3A_138 : memref<1x32xf32, #tpu.memory_space<hbm>> -> memref<32xf32, #tpu.memory_space<hbm>>
      %dma_start3A_140 = arith.constant 0 : i32
      %dma_start3A_141 = tpu.memref_slice %arg6[%add3A_133, %dma_start3A_140] : memref<512x32xf32, #tpu.memory_space<vmem>> -> memref<1x32xf32, #tpu.memory_space<vmem>>
      %dma_start3A_142 = tpu.memref_squeeze %dma_start3A_141 : memref<1x32xf32, #tpu.memory_space<vmem>> -> memref<32xf32, #tpu.memory_space<vmem>>
      %dma_start3A_143 = arith.constant 0 : i32
      %dma_start3A_144 = tpu.memref_slice %arg3[%squeeze3A_129, %dma_start3A_143] : memref<1000000x32xf32, #tpu.memory_space<hbm>> -> memref<1x32xf32, #tpu.memory_space<hbm>>
      %dma_start3A_145 = tpu.memref_squeeze %dma_start3A_144 : memref<1x32xf32, #tpu.memory_space<hbm>> -> memref<32xf32, #tpu.memory_space<hbm>>
      tpu.enqueue_dma source(%dma_start3A_145 : memref<32xf32, #tpu.memory_space<hbm>>) target(%dma_start3A_142 : memref<32xf32, #tpu.memory_space<vmem>>) target_semaphore(%arg7 : memref<!tpu.dma_semaphore, #tpu.memory_space<semaphore_mem>>)
      %slice3A_146 = vector.extract_strided_slice %get3A_22 {offsets = [7], sizes = [1], strides = [1]} : vector<16xi32> to vector<1xi32>
      %squeeze3A_147 = vector.extract %slice3A_146[0] : i32 from vector<1xi32>
      %mul3A_148 = arith.constant 16 : i32
      %mul3A_149 = arith.muli %scan3A_19, %mul3A_148 : i32
      %add3A_150 = arith.constant 7 : i32
      %add3A_151 = arith.addi %mul3A_149, %add3A_150 : i32
      %dma_start3A_152 = arith.constant 0 : i32
      %dma_start3A_153 = tpu.memref_slice %arg6[%add3A_151, %dma_start3A_152] : memref<512x32xf32, #tpu.memory_space<vmem>> -> memref<1x32xf32, #tpu.memory_space<vmem>>
      %dma_start3A_154 = tpu.memref_squeeze %dma_start3A_153 : memref<1x32xf32, #tpu.memory_space<vmem>> -> memref<32xf32, #tpu.memory_space<vmem>>
      %dma_start3A_155 = arith.constant 0 : i32
      %dma_start3A_156 = tpu.memref_slice %arg3[%squeeze3A_147, %dma_start3A_155] : memref<1000000x32xf32, #tpu.memory_space<hbm>> -> memref<1x32xf32, #tpu.memory_space<hbm>>
      %dma_start3A_157 = tpu.memref_squeeze %dma_start3A_156 : memref<1x32xf32, #tpu.memory_space<hbm>> -> memref<32xf32, #tpu.memory_space<hbm>>
      %dma_start3A_158 = arith.constant 0 : i32
      %dma_start3A_159 = tpu.memref_slice %arg6[%add3A_151, %dma_start3A_158] : memref<512x32xf32, #tpu.memory_space<vmem>> -> memref<1x32xf32, #tpu.memory_space<vmem>>
      %dma_start3A_160 = tpu.memref_squeeze %dma_start3A_159 : memref<1x32xf32, #tpu.memory_space<vmem>> -> memref<32xf32, #tpu.memory_space<vmem>>
      %dma_start3A_161 = arith.constant 0 : i32
      %dma_start3A_162 = tpu.memref_slice %arg3[%squeeze3A_147, %dma_start3A_161] : memref<1000000x32xf32, #tpu.memory_space<hbm>> -> memref<1x32xf32, #tpu.memory_space<hbm>>
      %dma_start3A_163 = tpu.memref_squeeze %dma_start3A_162 : memref<1x32xf32, #tpu.memory_space<hbm>> -> memref<32xf32, #tpu.memory_space<hbm>>
      tpu.enqueue_dma source(%dma_start3A_163 : memref<32xf32, #tpu.memory_space<hbm>>) target(%dma_start3A_160 : memref<32xf32, #tpu.memory_space<vmem>>) target_semaphore(%arg7 : memref<!tpu.dma_semaphore, #tpu.memory_space<semaphore_mem>>)
      %slice3A_164 = vector.extract_strided_slice %get3A_22 {offsets = [8], sizes = [1], strides = [1]} : vector<16xi32> to vector<1xi32>
      %squeeze3A_165 = vector.extract %slice3A_164[0] : i32 from vector<1xi32>
      %mul3A_166 = arith.constant 16 : i32
      %mul3A_167 = arith.muli %scan3A_19, %mul3A_166 : i32
      %add3A_168 = arith.constant 8 : i32
      %add3A_169 = arith.addi %mul3A_167, %add3A_168 : i32
      %dma_start3A_170 = arith.constant 0 : i32
      %dma_start3A_171 = tpu.memref_slice %arg6[%add3A_169, %dma_start3A_170] : memref<512x32xf32, #tpu.memory_space<vmem>> -> memref<1x32xf32, #tpu.memory_space<vmem>>
      %dma_start3A_172 = tpu.memref_squeeze %dma_start3A_171 : memref<1x32xf32, #tpu.memory_space<vmem>> -> memref<32xf32, #tpu.memory_space<vmem>>
      %dma_start3A_173 = arith.constant 0 : i32
      %dma_start3A_174 = tpu.memref_slice %arg3[%squeeze3A_165, %dma_start3A_173] : memref<1000000x32xf32, #tpu.memory_space<hbm>> -> memref<1x32xf32, #tpu.memory_space<hbm>>
      %dma_start3A_175 = tpu.memref_squeeze %dma_start3A_174 : memref<1x32xf32, #tpu.memory_space<hbm>> -> memref<32xf32, #tpu.memory_space<hbm>>
      %dma_start3A_176 = arith.constant 0 : i32
      %dma_start3A_177 = tpu.memref_slice %arg6[%add3A_169, %dma_start3A_176] : memref<512x32xf32, #tpu.memory_space<vmem>> -> memref<1x32xf32, #tpu.memory_space<vmem>>
      %dma_start3A_178 = tpu.memref_squeeze %dma_start3A_177 : memref<1x32xf32, #tpu.memory_space<vmem>> -> memref<32xf32, #tpu.memory_space<vmem>>
      %dma_start3A_179 = arith.constant 0 : i32
      %dma_start3A_180 = tpu.memref_slice %arg3[%squeeze3A_165, %dma_start3A_179] : memref<1000000x32xf32, #tpu.memory_space<hbm>> -> memref<1x32xf32, #tpu.memory_space<hbm>>
      %dma_start3A_181 = tpu.memref_squeeze %dma_start3A_180 : memref<1x32xf32, #tpu.memory_space<hbm>> -> memref<32xf32, #tpu.memory_space<hbm>>
      tpu.enqueue_dma source(%dma_start3A_181 : memref<32xf32, #tpu.memory_space<hbm>>) target(%dma_start3A_178 : memref<32xf32, #tpu.memory_space<vmem>>) target_semaphore(%arg7 : memref<!tpu.dma_semaphore, #tpu.memory_space<semaphore_mem>>)
      %slice3A_182 = vector.extract_strided_slice %get3A_22 {offsets = [9], sizes = [1], strides = [1]} : vector<16xi32> to vector<1xi32>
      %squeeze3A_183 = vector.extract %slice3A_182[0] : i32 from vector<1xi32>
      %mul3A_184 = arith.constant 16 : i32
      %mul3A_185 = arith.muli %scan3A_19, %mul3A_184 : i32
      %add3A_186 = arith.constant 9 : i32
      %add3A_187 = arith.addi %mul3A_185, %add3A_186 : i32
      %dma_start3A_188 = arith.constant 0 : i32
      %dma_start3A_189 = tpu.memref_slice %arg6[%add3A_187, %dma_start3A_188] : memref<512x32xf32, #tpu.memory_space<vmem>> -> memref<1x32xf32, #tpu.memory_space<vmem>>
      %dma_start3A_190 = tpu.memref_squeeze %dma_start3A_189 : memref<1x32xf32, #tpu.memory_space<vmem>> -> memref<32xf32, #tpu.memory_space<vmem>>
      %dma_start3A_191 = arith.constant 0 : i32
      %dma_start3A_192 = tpu.memref_slice %arg3[%squeeze3A_183, %dma_start3A_191] : memref<1000000x32xf32, #tpu.memory_space<hbm>> -> memref<1x32xf32, #tpu.memory_space<hbm>>
      %dma_start3A_193 = tpu.memref_squeeze %dma_start3A_192 : memref<1x32xf32, #tpu.memory_space<hbm>> -> memref<32xf32, #tpu.memory_space<hbm>>
      %dma_start3A_194 = arith.constant 0 : i32
      %dma_start3A_195 = tpu.memref_slice %arg6[%add3A_187, %dma_start3A_194] : memref<512x32xf32, #tpu.memory_space<vmem>> -> memref<1x32xf32, #tpu.memory_space<vmem>>
      %dma_start3A_196 = tpu.memref_squeeze %dma_start3A_195 : memref<1x32xf32, #tpu.memory_space<vmem>> -> memref<32xf32, #tpu.memory_space<vmem>>
      %dma_start3A_197 = arith.constant 0 : i32
      %dma_start3A_198 = tpu.memref_slice %arg3[%squeeze3A_183, %dma_start3A_197] : memref<1000000x32xf32, #tpu.memory_space<hbm>> -> memref<1x32xf32, #tpu.memory_space<hbm>>
      %dma_start3A_199 = tpu.memref_squeeze %dma_start3A_198 : memref<1x32xf32, #tpu.memory_space<hbm>> -> memref<32xf32, #tpu.memory_space<hbm>>
      tpu.enqueue_dma source(%dma_start3A_199 : memref<32xf32, #tpu.memory_space<hbm>>) target(%dma_start3A_196 : memref<32xf32, #tpu.memory_space<vmem>>) target_semaphore(%arg7 : memref<!tpu.dma_semaphore, #tpu.memory_space<semaphore_mem>>)
      %slice3A_200 = vector.extract_strided_slice %get3A_22 {offsets = [10], sizes = [1], strides = [1]} : vector<16xi32> to vector<1xi32>
      %squeeze3A_201 = vector.extract %slice3A_200[0] : i32 from vector<1xi32>
      %mul3A_202 = arith.constant 16 : i32
      %mul3A_203 = arith.muli %scan3A_19, %mul3A_202 : i32
      %add3A_204 = arith.constant 10 : i32
      %add3A_205 = arith.addi %mul3A_203, %add3A_204 : i32
      %dma_start3A_206 = arith.constant 0 : i32
      %dma_start3A_207 = tpu.memref_slice %arg6[%add3A_205, %dma_start3A_206] : memref<512x32xf32, #tpu.memory_space<vmem>> -> memref<1x32xf32, #tpu.memory_space<vmem>>
      %dma_start3A_208 = tpu.memref_squeeze %dma_start3A_207 : memref<1x32xf32, #tpu.memory_space<vmem>> -> memref<32xf32, #tpu.memory_space<vmem>>
      %dma_start3A_209 = arith.constant 0 : i32
      %dma_start3A_210 = tpu.memref_slice %arg3[%squeeze3A_201, %dma_start3A_209] : memref<1000000x32xf32, #tpu.memory_space<hbm>> -> memref<1x32xf32, #tpu.memory_space<hbm>>
      %dma_start3A_211 = tpu.memref_squeeze %dma_start3A_210 : memref<1x32xf32, #tpu.memory_space<hbm>> -> memref<32xf32, #tpu.memory_space<hbm>>
      %dma_start3A_212 = arith.constant 0 : i32
      %dma_start3A_213 = tpu.memref_slice %arg6[%add3A_205, %dma_start3A_212] : memref<512x32xf32, #tpu.memory_space<vmem>> -> memref<1x32xf32, #tpu.memory_space<vmem>>
      %dma_start3A_214 = tpu.memref_squeeze %dma_start3A_213 : memref<1x32xf32, #tpu.memory_space<vmem>> -> memref<32xf32, #tpu.memory_space<vmem>>
      %dma_start3A_215 = arith.constant 0 : i32
      %dma_start3A_216 = tpu.memref_slice %arg3[%squeeze3A_201, %dma_start3A_215] : memref<1000000x32xf32, #tpu.memory_space<hbm>> -> memref<1x32xf32, #tpu.memory_space<hbm>>
      %dma_start3A_217 = tpu.memref_squeeze %dma_start3A_216 : memref<1x32xf32, #tpu.memory_space<hbm>> -> memref<32xf32, #tpu.memory_space<hbm>>
      tpu.enqueue_dma source(%dma_start3A_217 : memref<32xf32, #tpu.memory_space<hbm>>) target(%dma_start3A_214 : memref<32xf32, #tpu.memory_space<vmem>>) target_semaphore(%arg7 : memref<!tpu.dma_semaphore, #tpu.memory_space<semaphore_mem>>)
      %slice3A_218 = vector.extract_strided_slice %get3A_22 {offsets = [11], sizes = [1], strides = [1]} : vector<16xi32> to vector<1xi32>
      %squeeze3A_219 = vector.extract %slice3A_218[0] : i32 from vector<1xi32>
      %mul3A_220 = arith.constant 16 : i32
      %mul3A_221 = arith.muli %scan3A_19, %mul3A_220 : i32
      %add3A_222 = arith.constant 11 : i32
      %add3A_223 = arith.addi %mul3A_221, %add3A_222 : i32
      %dma_start3A_224 = arith.constant 0 : i32
      %dma_start3A_225 = tpu.memref_slice %arg6[%add3A_223, %dma_start3A_224] : memref<512x32xf32, #tpu.memory_space<vmem>> -> memref<1x32xf32, #tpu.memory_space<vmem>>
      %dma_start3A_226 = tpu.memref_squeeze %dma_start3A_225 : memref<1x32xf32, #tpu.memory_space<vmem>> -> memref<32xf32, #tpu.memory_space<vmem>>
      %dma_start3A_227 = arith.constant 0 : i32
      %dma_start3A_228 = tpu.memref_slice %arg3[%squeeze3A_219, %dma_start3A_227] : memref<1000000x32xf32, #tpu.memory_space<hbm>> -> memref<1x32xf32, #tpu.memory_space<hbm>>
      %dma_start3A_229 = tpu.memref_squeeze %dma_start3A_228 : memref<1x32xf32, #tpu.memory_space<hbm>> -> memref<32xf32, #tpu.memory_space<hbm>>
      %dma_start3A_230 = arith.constant 0 : i32
      %dma_start3A_231 = tpu.memref_slice %arg6[%add3A_223, %dma_start3A_230] : memref<512x32xf32, #tpu.memory_space<vmem>> -> memref<1x32xf32, #tpu.memory_space<vmem>>
      %dma_start3A_232 = tpu.memref_squeeze %dma_start3A_231 : memref<1x32xf32, #tpu.memory_space<vmem>> -> memref<32xf32, #tpu.memory_space<vmem>>
      %dma_start3A_233 = arith.constant 0 : i32
      %dma_start3A_234 = tpu.memref_slice %arg3[%squeeze3A_219, %dma_start3A_233] : memref<1000000x32xf32, #tpu.memory_space<hbm>> -> memref<1x32xf32, #tpu.memory_space<hbm>>
      %dma_start3A_235 = tpu.memref_squeeze %dma_start3A_234 : memref<1x32xf32, #tpu.memory_space<hbm>> -> memref<32xf32, #tpu.memory_space<hbm>>
      tpu.enqueue_dma source(%dma_start3A_235 : memref<32xf32, #tpu.memory_space<hbm>>) target(%dma_start3A_232 : memref<32xf32, #tpu.memory_space<vmem>>) target_semaphore(%arg7 : memref<!tpu.dma_semaphore, #tpu.memory_space<semaphore_mem>>)
      %slice3A_236 = vector.extract_strided_slice %get3A_22 {offsets = [12], sizes = [1], strides = [1]} : vector<16xi32> to vector<1xi32>
      %squeeze3A_237 = vector.extract %slice3A_236[0] : i32 from vector<1xi32>
      %mul3A_238 = arith.constant 16 : i32
      %mul3A_239 = arith.muli %scan3A_19, %mul3A_238 : i32
      %add3A_240 = arith.constant 12 : i32
      %add3A_241 = arith.addi %mul3A_239, %add3A_240 : i32
      %dma_start3A_242 = arith.constant 0 : i32
      %dma_start3A_243 = tpu.memref_slice %arg6[%add3A_241, %dma_start3A_242] : memref<512x32xf32, #tpu.memory_space<vmem>> -> memref<1x32xf32, #tpu.memory_space<vmem>>
      %dma_start3A_244 = tpu.memref_squeeze %dma_start3A_243 : memref<1x32xf32, #tpu.memory_space<vmem>> -> memref<32xf32, #tpu.memory_space<vmem>>
      %dma_start3A_245 = arith.constant 0 : i32
      %dma_start3A_246 = tpu.memref_slice %arg3[%squeeze3A_237, %dma_start3A_245] : memref<1000000x32xf32, #tpu.memory_space<hbm>> -> memref<1x32xf32, #tpu.memory_space<hbm>>
      %dma_start3A_247 = tpu.memref_squeeze %dma_start3A_246 : memref<1x32xf32, #tpu.memory_space<hbm>> -> memref<32xf32, #tpu.memory_space<hbm>>
      %dma_start3A_248 = arith.constant 0 : i32
      %dma_start3A_249 = tpu.memref_slice %arg6[%add3A_241, %dma_start3A_248] : memref<512x32xf32, #tpu.memory_space<vmem>> -> memref<1x32xf32, #tpu.memory_space<vmem>>
      %dma_start3A_250 = tpu.memref_squeeze %dma_start3A_249 : memref<1x32xf32, #tpu.memory_space<vmem>> -> memref<32xf32, #tpu.memory_space<vmem>>
      %dma_start3A_251 = arith.constant 0 : i32
      %dma_start3A_252 = tpu.memref_slice %arg3[%squeeze3A_237, %dma_start3A_251] : memref<1000000x32xf32, #tpu.memory_space<hbm>> -> memref<1x32xf32, #tpu.memory_space<hbm>>
      %dma_start3A_253 = tpu.memref_squeeze %dma_start3A_252 : memref<1x32xf32, #tpu.memory_space<hbm>> -> memref<32xf32, #tpu.memory_space<hbm>>
      tpu.enqueue_dma source(%dma_start3A_253 : memref<32xf32, #tpu.memory_space<hbm>>) target(%dma_start3A_250 : memref<32xf32, #tpu.memory_space<vmem>>) target_semaphore(%arg7 : memref<!tpu.dma_semaphore, #tpu.memory_space<semaphore_mem>>)
      %slice3A_254 = vector.extract_strided_slice %get3A_22 {offsets = [13], sizes = [1], strides = [1]} : vector<16xi32> to vector<1xi32>
      %squeeze3A_255 = vector.extract %slice3A_254[0] : i32 from vector<1xi32>
      %mul3A_256 = arith.constant 16 : i32
      %mul3A_257 = arith.muli %scan3A_19, %mul3A_256 : i32
      %add3A_258 = arith.constant 13 : i32
      %add3A_259 = arith.addi %mul3A_257, %add3A_258 : i32
      %dma_start3A_260 = arith.constant 0 : i32
      %dma_start3A_261 = tpu.memref_slice %arg6[%add3A_259, %dma_start3A_260] : memref<512x32xf32, #tpu.memory_space<vmem>> -> memref<1x32xf32, #tpu.memory_space<vmem>>
      %dma_start3A_262 = tpu.memref_squeeze %dma_start3A_261 : memref<1x32xf32, #tpu.memory_space<vmem>> -> memref<32xf32, #tpu.memory_space<vmem>>
      %dma_start3A_263 = arith.constant 0 : i32
      %dma_start3A_264 = tpu.memref_slice %arg3[%squeeze3A_255, %dma_start3A_263] : memref<1000000x32xf32, #tpu.memory_space<hbm>> -> memref<1x32xf32, #tpu.memory_space<hbm>>
      %dma_start3A_265 = tpu.memref_squeeze %dma_start3A_264 : memref<1x32xf32, #tpu.memory_space<hbm>> -> memref<32xf32, #tpu.memory_space<hbm>>
      %dma_start3A_266 = arith.constant 0 : i32
      %dma_start3A_267 = tpu.memref_slice %arg6[%add3A_259, %dma_start3A_266] : memref<512x32xf32, #tpu.memory_space<vmem>> -> memref<1x32xf32, #tpu.memory_space<vmem>>
      %dma_start3A_268 = tpu.memref_squeeze %dma_start3A_267 : memref<1x32xf32, #tpu.memory_space<vmem>> -> memref<32xf32, #tpu.memory_space<vmem>>
      %dma_start3A_269 = arith.constant 0 : i32
      %dma_start3A_270 = tpu.memref_slice %arg3[%squeeze3A_255, %dma_start3A_269] : memref<1000000x32xf32, #tpu.memory_space<hbm>> -> memref<1x32xf32, #tpu.memory_space<hbm>>
      %dma_start3A_271 = tpu.memref_squeeze %dma_start3A_270 : memref<1x32xf32, #tpu.memory_space<hbm>> -> memref<32xf32, #tpu.memory_space<hbm>>
      tpu.enqueue_dma source(%dma_start3A_271 : memref<32xf32, #tpu.memory_space<hbm>>) target(%dma_start3A_268 : memref<32xf32, #tpu.memory_space<vmem>>) target_semaphore(%arg7 : memref<!tpu.dma_semaphore, #tpu.memory_space<semaphore_mem>>)
      %slice3A_272 = vector.extract_strided_slice %get3A_22 {offsets = [14], sizes = [1], strides = [1]} : vector<16xi32> to vector<1xi32>
      %squeeze3A_273 = vector.extract %slice3A_272[0] : i32 from vector<1xi32>
      %mul3A_274 = arith.constant 16 : i32
      %mul3A_275 = arith.muli %scan3A_19, %mul3A_274 : i32
      %add3A_276 = arith.constant 14 : i32
      %add3A_277 = arith.addi %mul3A_275, %add3A_276 : i32
      %dma_start3A_278 = arith.constant 0 : i32
      %dma_start3A_279 = tpu.memref_slice %arg6[%add3A_277, %dma_start3A_278] : memref<512x32xf32, #tpu.memory_space<vmem>> -> memref<1x32xf32, #tpu.memory_space<vmem>>
      %dma_start3A_280 = tpu.memref_squeeze %dma_start3A_279 : memref<1x32xf32, #tpu.memory_space<vmem>> -> memref<32xf32, #tpu.memory_space<vmem>>
      %dma_start3A_281 = arith.constant 0 : i32
      %dma_start3A_282 = tpu.memref_slice %arg3[%squeeze3A_273, %dma_start3A_281] : memref<1000000x32xf32, #tpu.memory_space<hbm>> -> memref<1x32xf32, #tpu.memory_space<hbm>>
      %dma_start3A_283 = tpu.memref_squeeze %dma_start3A_282 : memref<1x32xf32, #tpu.memory_space<hbm>> -> memref<32xf32, #tpu.memory_space<hbm>>
      %dma_start3A_284 = arith.constant 0 : i32
      %dma_start3A_285 = tpu.memref_slice %arg6[%add3A_277, %dma_start3A_284] : memref<512x32xf32, #tpu.memory_space<vmem>> -> memref<1x32xf32, #tpu.memory_space<vmem>>
      %dma_start3A_286 = tpu.memref_squeeze %dma_start3A_285 : memref<1x32xf32, #tpu.memory_space<vmem>> -> memref<32xf32, #tpu.memory_space<vmem>>
      %dma_start3A_287 = arith.constant 0 : i32
      %dma_start3A_288 = tpu.memref_slice %arg3[%squeeze3A_273, %dma_start3A_287] : memref<1000000x32xf32, #tpu.memory_space<hbm>> -> memref<1x32xf32, #tpu.memory_space<hbm>>
      %dma_start3A_289 = tpu.memref_squeeze %dma_start3A_288 : memref<1x32xf32, #tpu.memory_space<hbm>> -> memref<32xf32, #tpu.memory_space<hbm>>
      tpu.enqueue_dma source(%dma_start3A_289 : memref<32xf32, #tpu.memory_space<hbm>>) target(%dma_start3A_286 : memref<32xf32, #tpu.memory_space<vmem>>) target_semaphore(%arg7 : memref<!tpu.dma_semaphore, #tpu.memory_space<semaphore_mem>>)
      %slice3A_290 = vector.extract_strided_slice %get3A_22 {offsets = [15], sizes = [1], strides = [1]} : vector<16xi32> to vector<1xi32>
      %squeeze3A_291 = vector.extract %slice3A_290[0] : i32 from vector<1xi32>
      %mul3A_292 = arith.constant 16 : i32
      %mul3A_293 = arith.muli %scan3A_19, %mul3A_292 : i32
      %add3A_294 = arith.constant 15 : i32
      %add3A_295 = arith.addi %mul3A_293, %add3A_294 : i32
      %dma_start3A_296 = arith.constant 0 : i32
      %dma_start3A_297 = tpu.memref_slice %arg6[%add3A_295, %dma_start3A_296] : memref<512x32xf32, #tpu.memory_space<vmem>> -> memref<1x32xf32, #tpu.memory_space<vmem>>
      %dma_start3A_298 = tpu.memref_squeeze %dma_start3A_297 : memref<1x32xf32, #tpu.memory_space<vmem>> -> memref<32xf32, #tpu.memory_space<vmem>>
      %dma_start3A_299 = arith.constant 0 : i32
      %dma_start3A_300 = tpu.memref_slice %arg3[%squeeze3A_291, %dma_start3A_299] : memref<1000000x32xf32, #tpu.memory_space<hbm>> -> memref<1x32xf32, #tpu.memory_space<hbm>>
      %dma_start3A_301 = tpu.memref_squeeze %dma_start3A_300 : memref<1x32xf32, #tpu.memory_space<hbm>> -> memref<32xf32, #tpu.memory_space<hbm>>
      %dma_start3A_302 = arith.constant 0 : i32
      %dma_start3A_303 = tpu.memref_slice %arg6[%add3A_295, %dma_start3A_302] : memref<512x32xf32, #tpu.memory_space<vmem>> -> memref<1x32xf32, #tpu.memory_space<vmem>>
      %dma_start3A_304 = tpu.memref_squeeze %dma_start3A_303 : memref<1x32xf32, #tpu.memory_space<vmem>> -> memref<32xf32, #tpu.memory_space<vmem>>
      %dma_start3A_305 = arith.constant 0 : i32
      %dma_start3A_306 = tpu.memref_slice %arg3[%squeeze3A_291, %dma_start3A_305] : memref<1000000x32xf32, #tpu.memory_space<hbm>> -> memref<1x32xf32, #tpu.memory_space<hbm>>
      %dma_start3A_307 = tpu.memref_squeeze %dma_start3A_306 : memref<1x32xf32, #tpu.memory_space<hbm>> -> memref<32xf32, #tpu.memory_space<hbm>>
      tpu.enqueue_dma source(%dma_start3A_307 : memref<32xf32, #tpu.memory_space<hbm>>) target(%dma_start3A_304 : memref<32xf32, #tpu.memory_space<vmem>>) target_semaphore(%arg7 : memref<!tpu.dma_semaphore, #tpu.memory_space<semaphore_mem>>)
    }
    %scan3A_7 = arith.constant 32 : i32
    %dma_wait3A = arith.constant 0 : i32
    %dma_wait3A_8 = arith.constant 0 : i32
    %dma_wait3A_9 = tpu.memref_slice %arg3[%dma_wait3A, %dma_wait3A_8] : memref<1000000x32xf32, #tpu.memory_space<hbm>> -> memref<512x32xf32, #tpu.memory_space<hbm>>
    %dma_wait3A_10 = arith.constant 0 : i32
    %dma_wait3A_11 = arith.constant 0 : i32
    %dma_wait3A_12 = tpu.memref_slice %arg3[%dma_wait3A_10, %dma_wait3A_11] : memref<1000000x32xf32, #tpu.memory_space<hbm>> -> memref<512x32xf32, #tpu.memory_space<hbm>>
    tpu.wait_dma2 semaphore(%arg7 : memref<!tpu.dma_semaphore, #tpu.memory_space<semaphore_mem>>) src(%dma_wait3A_12 : memref<512x32xf32, #tpu.memory_space<hbm>>) dst(%arg6 : memref<512x32xf32, #tpu.memory_space<vmem>>)
    %iota3A = tpu.iota {dimensions = array<i32: 0>} : vector<16xi32>
    %scan3A_13 = arith.constant 0 : i32
    %scan3A_14 = arith.constant 0 : i32
    %scan3A_15 = arith.constant 32 : i32
    %scan3A_16 = arith.addi %scan3A_14, %scan3A_15 : i32
    %scan3A_17 = arith.constant 1 : i32
    scf.for %scan3A_19 = %scan3A_14 to %scan3A_16 step %scan3A_17  : i32 {
      %mul3A_20 = arith.constant 16 : i32
      %mul3A_21 = arith.muli %scan3A_19, %mul3A_20 : i32
      %add3A_22 = vector.broadcast %mul3A_21 : i32 to vector<16xi32>
      %add3A_23 = arith.addi %add3A_22, %iota3A : vector<16xi32>
      %broadcast_in_dim3A = arith.constant 0 : i32
      %broadcast_in_dim3A_24 = vector.broadcast %broadcast_in_dim3A : i32 to vector<16xi32>
      %gather3A = tpu.vector_load_idx %arg6[%add3A_23, %broadcast_in_dim3A_24] : memref<512x32xf32, #tpu.memory_space<vmem>>[vector<16xi32>, vector<16xi32>], vector<16xf32>,
      %mul3A_25 = arith.mulf %gather3A, %gather3A : vector<16xf32>
      %broadcast_in_dim3A_26 = arith.constant 1 : i32
      %broadcast_in_dim3A_27 = vector.broadcast %broadcast_in_dim3A_26 : i32 to vector<16xi32>
      %gather3A_28 = tpu.vector_load_idx %arg6[%add3A_23, %broadcast_in_dim3A_27] : memref<512x32xf32, #tpu.memory_space<vmem>>[vector<16xi32>, vector<16xi32>], vector<16xf32>,
      %mul3A_29 = arith.mulf %gather3A_28, %gather3A_28 : vector<16xf32>
      %add3A_30 = arith.addf %mul3A_25, %mul3A_29 : vector<16xf32>
      %broadcast_in_dim3A_31 = arith.constant 2 : i32
      %broadcast_in_dim3A_32 = vector.broadcast %broadcast_in_dim3A_31 : i32 to vector<16xi32>
      %gather3A_33 = tpu.vector_load_idx %arg6[%add3A_23, %broadcast_in_dim3A_32] : memref<512x32xf32, #tpu.memory_space<vmem>>[vector<16xi32>, vector<16xi32>], vector<16xf32>,
      %mul3A_34 = arith.mulf %gather3A_33, %gather3A_33 : vector<16xf32>
      %add3A_35 = arith.addf %add3A_30, %mul3A_34 : vector<16xf32>
      %broadcast_in_dim3A_36 = arith.constant 3 : i32
      %broadcast_in_dim3A_37 = vector.broadcast %broadcast_in_dim3A_36 : i32 to vector<16xi32>
      %gather3A_38 = tpu.vector_load_idx %arg6[%add3A_23, %broadcast_in_dim3A_37] : memref<512x32xf32, #tpu.memory_space<vmem>>[vector<16xi32>, vector<16xi32>], vector<16xf32>,
      %mul3A_39 = arith.mulf %gather3A_38, %gather3A_38 : vector<16xf32>
      %add3A_40 = arith.addf %add3A_35, %mul3A_39 : vector<16xf32>
      %broadcast_in_dim3A_41 = arith.constant 4 : i32
      %broadcast_in_dim3A_42 = vector.broadcast %broadcast_in_dim3A_41 : i32 to vector<16xi32>
      %gather3A_43 = tpu.vector_load_idx %arg6[%add3A_23, %broadcast_in_dim3A_42] : memref<512x32xf32, #tpu.memory_space<vmem>>[vector<16xi32>, vector<16xi32>], vector<16xf32>,
      %mul3A_44 = arith.mulf %gather3A_43, %gather3A_43 : vector<16xf32>
      %add3A_45 = arith.addf %add3A_40, %mul3A_44 : vector<16xf32>
      %broadcast_in_dim3A_46 = arith.constant 5 : i32
      %broadcast_in_dim3A_47 = vector.broadcast %broadcast_in_dim3A_46 : i32 to vector<16xi32>
      %gather3A_48 = tpu.vector_load_idx %arg6[%add3A_23, %broadcast_in_dim3A_47] : memref<512x32xf32, #tpu.memory_space<vmem>>[vector<16xi32>, vector<16xi32>], vector<16xf32>,
      %mul3A_49 = arith.mulf %gather3A_48, %gather3A_48 : vector<16xf32>
      %add3A_50 = arith.addf %add3A_45, %mul3A_49 : vector<16xf32>
      %broadcast_in_dim3A_51 = arith.constant 6 : i32
      %broadcast_in_dim3A_52 = vector.broadcast %broadcast_in_dim3A_51 : i32 to vector<16xi32>
      %gather3A_53 = tpu.vector_load_idx %arg6[%add3A_23, %broadcast_in_dim3A_52] : memref<512x32xf32, #tpu.memory_space<vmem>>[vector<16xi32>, vector<16xi32>], vector<16xf32>,
      %mul3A_54 = arith.mulf %gather3A_53, %gather3A_53 : vector<16xf32>
      %add3A_55 = arith.addf %add3A_50, %mul3A_54 : vector<16xf32>
      %broadcast_in_dim3A_56 = arith.constant 7 : i32
      %broadcast_in_dim3A_57 = vector.broadcast %broadcast_in_dim3A_56 : i32 to vector<16xi32>
      %gather3A_58 = tpu.vector_load_idx %arg6[%add3A_23, %broadcast_in_dim3A_57] : memref<512x32xf32, #tpu.memory_space<vmem>>[vector<16xi32>, vector<16xi32>], vector<16xf32>,
      %mul3A_59 = arith.mulf %gather3A_58, %gather3A_58 : vector<16xf32>
      %add3A_60 = arith.addf %add3A_55, %mul3A_59 : vector<16xf32>
      %broadcast_in_dim3A_61 = arith.constant 8 : i32
      %broadcast_in_dim3A_62 = vector.broadcast %broadcast_in_dim3A_61 : i32 to vector<16xi32>
      %gather3A_63 = tpu.vector_load_idx %arg6[%add3A_23, %broadcast_in_dim3A_62] : memref<512x32xf32, #tpu.memory_space<vmem>>[vector<16xi32>, vector<16xi32>], vector<16xf32>,
      %mul3A_64 = arith.mulf %gather3A_63, %gather3A_63 : vector<16xf32>
      %add3A_65 = arith.addf %add3A_60, %mul3A_64 : vector<16xf32>
      %broadcast_in_dim3A_66 = arith.constant 9 : i32
      %broadcast_in_dim3A_67 = vector.broadcast %broadcast_in_dim3A_66 : i32 to vector<16xi32>
      %gather3A_68 = tpu.vector_load_idx %arg6[%add3A_23, %broadcast_in_dim3A_67] : memref<512x32xf32, #tpu.memory_space<vmem>>[vector<16xi32>, vector<16xi32>], vector<16xf32>,
      %mul3A_69 = arith.mulf %gather3A_68, %gather3A_68 : vector<16xf32>
      %add3A_70 = arith.addf %add3A_65, %mul3A_69 : vector<16xf32>
      %broadcast_in_dim3A_71 = arith.constant 10 : i32
      %broadcast_in_dim3A_72 = vector.broadcast %broadcast_in_dim3A_71 : i32 to vector<16xi32>
      %gather3A_73 = tpu.vector_load_idx %arg6[%add3A_23, %broadcast_in_dim3A_72] : memref<512x32xf32, #tpu.memory_space<vmem>>[vector<16xi32>, vector<16xi32>], vector<16xf32>,
      %mul3A_74 = arith.mulf %gather3A_73, %gather3A_73 : vector<16xf32>
      %add3A_75 = arith.addf %add3A_70, %mul3A_74 : vector<16xf32>
      %broadcast_in_dim3A_76 = arith.constant 11 : i32
      %broadcast_in_dim3A_77 = vector.broadcast %broadcast_in_dim3A_76 : i32 to vector<16xi32>
      %gather3A_78 = tpu.vector_load_idx %arg6[%add3A_23, %broadcast_in_dim3A_77] : memref<512x32xf32, #tpu.memory_space<vmem>>[vector<16xi32>, vector<16xi32>], vector<16xf32>,
      %mul3A_79 = arith.mulf %gather3A_78, %gather3A_78 : vector<16xf32>
      %add3A_80 = arith.addf %add3A_75, %mul3A_79 : vector<16xf32>
      %broadcast_in_dim3A_81 = arith.constant 12 : i32
      %broadcast_in_dim3A_82 = vector.broadcast %broadcast_in_dim3A_81 : i32 to vector<16xi32>
      %gather3A_83 = tpu.vector_load_idx %arg6[%add3A_23, %broadcast_in_dim3A_82] : memref<512x32xf32, #tpu.memory_space<vmem>>[vector<16xi32>, vector<16xi32>], vector<16xf32>,
      %mul3A_84 = arith.mulf %gather3A_83, %gather3A_83 : vector<16xf32>
      %add3A_85 = arith.addf %add3A_80, %mul3A_84 : vector<16xf32>
      %broadcast_in_dim3A_86 = arith.constant 13 : i32
      %broadcast_in_dim3A_87 = vector.broadcast %broadcast_in_dim3A_86 : i32 to vector<16xi32>
      %gather3A_88 = tpu.vector_load_idx %arg6[%add3A_23, %broadcast_in_dim3A_87] : memref<512x32xf32, #tpu.memory_space<vmem>>[vector<16xi32>, vector<16xi32>], vector<16xf32>,
      %mul3A_89 = arith.mulf %gather3A_88, %gather3A_88 : vector<16xf32>
      %add3A_90 = arith.addf %add3A_85, %mul3A_89 : vector<16xf32>
      %broadcast_in_dim3A_91 = arith.constant 14 : i32
      %broadcast_in_dim3A_92 = vector.broadcast %broadcast_in_dim3A_91 : i32 to vector<16xi32>
      %gather3A_93 = tpu.vector_load_idx %arg6[%add3A_23, %broadcast_in_dim3A_92] : memref<512x32xf32, #tpu.memory_space<vmem>>[vector<16xi32>, vector<16xi32>], vector<16xf32>,
      %mul3A_94 = arith.mulf %gather3A_93, %gather3A_93 : vector<16xf32>
      %add3A_95 = arith.addf %add3A_90, %mul3A_94 : vector<16xf32>
      %broadcast_in_dim3A_96 = arith.constant 15 : i32
      %broadcast_in_dim3A_97 = vector.broadcast %broadcast_in_dim3A_96 : i32 to vector<16xi32>
      %gather3A_98 = tpu.vector_load_idx %arg6[%add3A_23, %broadcast_in_dim3A_97] : memref<512x32xf32, #tpu.memory_space<vmem>>[vector<16xi32>, vector<16xi32>], vector<16xf32>,
      %mul3A_99 = arith.mulf %gather3A_98, %gather3A_98 : vector<16xf32>
      %add3A_100 = arith.addf %add3A_95, %mul3A_99 : vector<16xf32>
      %broadcast_in_dim3A_101 = arith.constant 16 : i32
      %broadcast_in_dim3A_102 = vector.broadcast %broadcast_in_dim3A_101 : i32 to vector<16xi32>
      %gather3A_103 = tpu.vector_load_idx %arg6[%add3A_23, %broadcast_in_dim3A_102] : memref<512x32xf32, #tpu.memory_space<vmem>>[vector<16xi32>, vector<16xi32>], vector<16xf32>,
      %mul3A_104 = arith.mulf %gather3A_103, %gather3A_103 : vector<16xf32>
      %add3A_105 = arith.addf %add3A_100, %mul3A_104 : vector<16xf32>
      %broadcast_in_dim3A_106 = arith.constant 17 : i32
      %broadcast_in_dim3A_107 = vector.broadcast %broadcast_in_dim3A_106 : i32 to vector<16xi32>
      %gather3A_108 = tpu.vector_load_idx %arg6[%add3A_23, %broadcast_in_dim3A_107] : memref<512x32xf32, #tpu.memory_space<vmem>>[vector<16xi32>, vector<16xi32>], vector<16xf32>,
      %mul3A_109 = arith.mulf %gather3A_108, %gather3A_108 : vector<16xf32>
      %add3A_110 = arith.addf %add3A_105, %mul3A_109 : vector<16xf32>
      %broadcast_in_dim3A_111 = arith.constant 18 : i32
      %broadcast_in_dim3A_112 = vector.broadcast %broadcast_in_dim3A_111 : i32 to vector<16xi32>
      %gather3A_113 = tpu.vector_load_idx %arg6[%add3A_23, %broadcast_in_dim3A_112] : memref<512x32xf32, #tpu.memory_space<vmem>>[vector<16xi32>, vector<16xi32>], vector<16xf32>,
      %mul3A_114 = arith.mulf %gather3A_113, %gather3A_113 : vector<16xf32>
      %add3A_115 = arith.addf %add3A_110, %mul3A_114 : vector<16xf32>
      %broadcast_in_dim3A_116 = arith.constant 19 : i32
      %broadcast_in_dim3A_117 = vector.broadcast %broadcast_in_dim3A_116 : i32 to vector<16xi32>
      %gather3A_118 = tpu.vector_load_idx %arg6[%add3A_23, %broadcast_in_dim3A_117] : memref<512x32xf32, #tpu.memory_space<vmem>>[vector<16xi32>, vector<16xi32>], vector<16xf32>,
      %mul3A_119 = arith.mulf %gather3A_118, %gather3A_118 : vector<16xf32>
      %add3A_120 = arith.addf %add3A_115, %mul3A_119 : vector<16xf32>
      %broadcast_in_dim3A_121 = arith.constant 20 : i32
      %broadcast_in_dim3A_122 = vector.broadcast %broadcast_in_dim3A_121 : i32 to vector<16xi32>
      %gather3A_123 = tpu.vector_load_idx %arg6[%add3A_23, %broadcast_in_dim3A_122] : memref<512x32xf32, #tpu.memory_space<vmem>>[vector<16xi32>, vector<16xi32>], vector<16xf32>,
      %mul3A_124 = arith.mulf %gather3A_123, %gather3A_123 : vector<16xf32>
      %add3A_125 = arith.addf %add3A_120, %mul3A_124 : vector<16xf32>
      %broadcast_in_dim3A_126 = arith.constant 21 : i32
      %broadcast_in_dim3A_127 = vector.broadcast %broadcast_in_dim3A_126 : i32 to vector<16xi32>
      %gather3A_128 = tpu.vector_load_idx %arg6[%add3A_23, %broadcast_in_dim3A_127] : memref<512x32xf32, #tpu.memory_space<vmem>>[vector<16xi32>, vector<16xi32>], vector<16xf32>,
      %mul3A_129 = arith.mulf %gather3A_128, %gather3A_128 : vector<16xf32>
      %add3A_130 = arith.addf %add3A_125, %mul3A_129 : vector<16xf32>
      %broadcast_in_dim3A_131 = arith.constant 22 : i32
      %broadcast_in_dim3A_132 = vector.broadcast %broadcast_in_dim3A_131 : i32 to vector<16xi32>
      %gather3A_133 = tpu.vector_load_idx %arg6[%add3A_23, %broadcast_in_dim3A_132] : memref<512x32xf32, #tpu.memory_space<vmem>>[vector<16xi32>, vector<16xi32>], vector<16xf32>,
      %mul3A_134 = arith.mulf %gather3A_133, %gather3A_133 : vector<16xf32>
      %add3A_135 = arith.addf %add3A_130, %mul3A_134 : vector<16xf32>
      %broadcast_in_dim3A_136 = arith.constant 23 : i32
      %broadcast_in_dim3A_137 = vector.broadcast %broadcast_in_dim3A_136 : i32 to vector<16xi32>
      %gather3A_138 = tpu.vector_load_idx %arg6[%add3A_23, %broadcast_in_dim3A_137] : memref<512x32xf32, #tpu.memory_space<vmem>>[vector<16xi32>, vector<16xi32>], vector<16xf32>,
      %mul3A_139 = arith.mulf %gather3A_138, %gather3A_138 : vector<16xf32>
      %add3A_140 = arith.addf %add3A_135, %mul3A_139 : vector<16xf32>
      %broadcast_in_dim3A_141 = arith.constant 24 : i32
      %broadcast_in_dim3A_142 = vector.broadcast %broadcast_in_dim3A_141 : i32 to vector<16xi32>
      %gather3A_143 = tpu.vector_load_idx %arg6[%add3A_23, %broadcast_in_dim3A_142] : memref<512x32xf32, #tpu.memory_space<vmem>>[vector<16xi32>, vector<16xi32>], vector<16xf32>,
      %mul3A_144 = arith.mulf %gather3A_143, %gather3A_143 : vector<16xf32>
      %add3A_145 = arith.addf %add3A_140, %mul3A_144 : vector<16xf32>
      %broadcast_in_dim3A_146 = arith.constant 25 : i32
      %broadcast_in_dim3A_147 = vector.broadcast %broadcast_in_dim3A_146 : i32 to vector<16xi32>
      %gather3A_148 = tpu.vector_load_idx %arg6[%add3A_23, %broadcast_in_dim3A_147] : memref<512x32xf32, #tpu.memory_space<vmem>>[vector<16xi32>, vector<16xi32>], vector<16xf32>,
      %mul3A_149 = arith.mulf %gather3A_148, %gather3A_148 : vector<16xf32>
      %add3A_150 = arith.addf %add3A_145, %mul3A_149 : vector<16xf32>
      %broadcast_in_dim3A_151 = arith.constant 26 : i32
      %broadcast_in_dim3A_152 = vector.broadcast %broadcast_in_dim3A_151 : i32 to vector<16xi32>
      %gather3A_153 = tpu.vector_load_idx %arg6[%add3A_23, %broadcast_in_dim3A_152] : memref<512x32xf32, #tpu.memory_space<vmem>>[vector<16xi32>, vector<16xi32>], vector<16xf32>,
      %mul3A_154 = arith.mulf %gather3A_153, %gather3A_153 : vector<16xf32>
      %add3A_155 = arith.addf %add3A_150, %mul3A_154 : vector<16xf32>
      %broadcast_in_dim3A_156 = arith.constant 27 : i32
      %broadcast_in_dim3A_157 = vector.broadcast %broadcast_in_dim3A_156 : i32 to vector<16xi32>
      %gather3A_158 = tpu.vector_load_idx %arg6[%add3A_23, %broadcast_in_dim3A_157] : memref<512x32xf32, #tpu.memory_space<vmem>>[vector<16xi32>, vector<16xi32>], vector<16xf32>,
      %mul3A_159 = arith.mulf %gather3A_158, %gather3A_158 : vector<16xf32>
      %add3A_160 = arith.addf %add3A_155, %mul3A_159 : vector<16xf32>
      %broadcast_in_dim3A_161 = arith.constant 28 : i32
      %broadcast_in_dim3A_162 = vector.broadcast %broadcast_in_dim3A_161 : i32 to vector<16xi32>
      %gather3A_163 = tpu.vector_load_idx %arg6[%add3A_23, %broadcast_in_dim3A_162] : memref<512x32xf32, #tpu.memory_space<vmem>>[vector<16xi32>, vector<16xi32>], vector<16xf32>,
      %mul3A_164 = arith.mulf %gather3A_163, %gather3A_163 : vector<16xf32>
      %add3A_165 = arith.addf %add3A_160, %mul3A_164 : vector<16xf32>
      %broadcast_in_dim3A_166 = arith.constant 29 : i32
      %broadcast_in_dim3A_167 = vector.broadcast %broadcast_in_dim3A_166 : i32 to vector<16xi32>
      %gather3A_168 = tpu.vector_load_idx %arg6[%add3A_23, %broadcast_in_dim3A_167] : memref<512x32xf32, #tpu.memory_space<vmem>>[vector<16xi32>, vector<16xi32>], vector<16xf32>,
      %mul3A_169 = arith.mulf %gather3A_168, %gather3A_168 : vector<16xf32>
      %add3A_170 = arith.addf %add3A_165, %mul3A_169 : vector<16xf32>
      %broadcast_in_dim3A_171 = arith.constant 30 : i32
      %broadcast_in_dim3A_172 = vector.broadcast %broadcast_in_dim3A_171 : i32 to vector<16xi32>
      %gather3A_173 = tpu.vector_load_idx %arg6[%add3A_23, %broadcast_in_dim3A_172] : memref<512x32xf32, #tpu.memory_space<vmem>>[vector<16xi32>, vector<16xi32>], vector<16xf32>,
      %mul3A_174 = arith.mulf %gather3A_173, %gather3A_173 : vector<16xf32>
      %add3A_175 = arith.addf %add3A_170, %mul3A_174 : vector<16xf32>
      %broadcast_in_dim3A_176 = arith.constant 31 : i32
      %broadcast_in_dim3A_177 = vector.broadcast %broadcast_in_dim3A_176 : i32 to vector<16xi32>
      %gather3A_178 = tpu.vector_load_idx %arg6[%add3A_23, %broadcast_in_dim3A_177] : memref<512x32xf32, #tpu.memory_space<vmem>>[vector<16xi32>, vector<16xi32>], vector<16xf32>,
      %mul3A_179 = arith.mulf %gather3A_178, %gather3A_178 : vector<16xf32>
      %add3A_180 = arith.addf %add3A_175, %mul3A_179 : vector<16xf32>
      %bitcast_convert_type3A = tpu.bitcast %add3A_180 : vector<16xf32> -> vector<16xi32>
      %shift_right_arithmetic3A = arith.constant 1 : i32
      %shift_right_arithmetic3A_181 = vector.broadcast %shift_right_arithmetic3A : i32 to vector<16xi32>
      %shift_right_arithmetic3A_182 = arith.shrsi %bitcast_convert_type3A, %shift_right_arithmetic3A_181 : vector<16xi32>
      %sub3A = arith.constant 1597463007 : i32
      %sub3A_183 = vector.broadcast %sub3A : i32 to vector<16xi32>
      %sub3A_184 = arith.subi %sub3A_183, %shift_right_arithmetic3A_182 : vector<16xi32>
      %bitcast_convert_type3A_185 = tpu.bitcast %sub3A_184 : vector<16xi32> -> vector<16xf32>
      %mul3A_186 = arith.constant -5.000000e-01 : f32
      %mul3A_187 = vector.broadcast %mul3A_186 : f32 to vector<16xf32>
      %mul3A_188 = arith.mulf %add3A_180, %mul3A_187 : vector<16xf32>
      %mul3A_189 = arith.mulf %mul3A_188, %bitcast_convert_type3A_185 : vector<16xf32>
      %mul3A_190 = arith.mulf %mul3A_189, %bitcast_convert_type3A_185 : vector<16xf32>
      %add3A_191 = arith.constant 1.500000e+00 : f32
      %add3A_192 = vector.broadcast %add3A_191 : f32 to vector<16xf32>
      %add3A_193 = arith.addf %add3A_192, %mul3A_190 : vector<16xf32>
      %mul3A_194 = arith.mulf %bitcast_convert_type3A_185, %add3A_193 : vector<16xf32>
      %mul3A_195 = arith.mulf %mul3A_188, %mul3A_194 : vector<16xf32>
      %mul3A_196 = arith.mulf %mul3A_195, %mul3A_194 : vector<16xf32>
      %add3A_197 = arith.constant 1.500000e+00 : f32
      %add3A_198 = vector.broadcast %add3A_197 : f32 to vector<16xf32>
      %add3A_199 = arith.addf %add3A_198, %mul3A_196 : vector<16xf32>
      %mul3A_200 = arith.mulf %mul3A_194, %add3A_199 : vector<16xf32>
      %mul3A_201 = arith.mulf %mul3A_188, %mul3A_200 : vector<16xf32>
      %mul3A_202 = arith.mulf %mul3A_201, %mul3A_200 : vector<16xf32>
      %add3A_203 = arith.constant 1.500000e+00 : f32
      %add3A_204 = vector.broadcast %add3A_203 : f32 to vector<16xf32>
      %add3A_205 = arith.addf %add3A_204, %mul3A_202 : vector<16xf32>
      %mul3A_206 = arith.mulf %mul3A_200, %add3A_205 : vector<16xf32>
      %broadcast_in_dim3A_207 = arith.constant 0 : i32
      %broadcast_in_dim3A_208 = vector.broadcast %broadcast_in_dim3A_207 : i32 to vector<16xi32>
      %mul3A_209 = arith.mulf %gather3A, %mul3A_206 : vector<16xf32>
      tpu.vector_store_idx %arg6[%add3A_23, %broadcast_in_dim3A_208], %mul3A_209 : memref<512x32xf32, #tpu.memory_space<vmem>>[vector<16xi32>, vector<16xi32>], vector<16xf32>,
      %broadcast_in_dim3A_210 = arith.constant 1 : i32
      %broadcast_in_dim3A_211 = vector.broadcast %broadcast_in_dim3A_210 : i32 to vector<16xi32>
      %mul3A_212 = arith.mulf %gather3A_28, %mul3A_206 : vector<16xf32>
      tpu.vector_store_idx %arg6[%add3A_23, %broadcast_in_dim3A_211], %mul3A_212 : memref<512x32xf32, #tpu.memory_space<vmem>>[vector<16xi32>, vector<16xi32>], vector<16xf32>,
      %broadcast_in_dim3A_213 = arith.constant 2 : i32
      %broadcast_in_dim3A_214 = vector.broadcast %broadcast_in_dim3A_213 : i32 to vector<16xi32>
      %mul3A_215 = arith.mulf %gather3A_33, %mul3A_206 : vector<16xf32>
      tpu.vector_store_idx %arg6[%add3A_23, %broadcast_in_dim3A_214], %mul3A_215 : memref<512x32xf32, #tpu.memory_space<vmem>>[vector<16xi32>, vector<16xi32>], vector<16xf32>,
      %broadcast_in_dim3A_216 = arith.constant 3 : i32
      %broadcast_in_dim3A_217 = vector.broadcast %broadcast_in_dim3A_216 : i32 to vector<16xi32>
      %mul3A_218 = arith.mulf %gather3A_38, %mul3A_206 : vector<16xf32>
      tpu.vector_store_idx %arg6[%add3A_23, %broadcast_in_dim3A_217], %mul3A_218 : memref<512x32xf32, #tpu.memory_space<vmem>>[vector<16xi32>, vector<16xi32>], vector<16xf32>,
      %broadcast_in_dim3A_219 = arith.constant 4 : i32
      %broadcast_in_dim3A_220 = vector.broadcast %broadcast_in_dim3A_219 : i32 to vector<16xi32>
      %mul3A_221 = arith.mulf %gather3A_43, %mul3A_206 : vector<16xf32>
      tpu.vector_store_idx %arg6[%add3A_23, %broadcast_in_dim3A_220], %mul3A_221 : memref<512x32xf32, #tpu.memory_space<vmem>>[vector<16xi32>, vector<16xi32>], vector<16xf32>,
      %broadcast_in_dim3A_222 = arith.constant 5 : i32
      %broadcast_in_dim3A_223 = vector.broadcast %broadcast_in_dim3A_222 : i32 to vector<16xi32>
      %mul3A_224 = arith.mulf %gather3A_48, %mul3A_206 : vector<16xf32>
      tpu.vector_store_idx %arg6[%add3A_23, %broadcast_in_dim3A_223], %mul3A_224 : memref<512x32xf32, #tpu.memory_space<vmem>>[vector<16xi32>, vector<16xi32>], vector<16xf32>,
      %broadcast_in_dim3A_225 = arith.constant 6 : i32
      %broadcast_in_dim3A_226 = vector.broadcast %broadcast_in_dim3A_225 : i32 to vector<16xi32>
      %mul3A_227 = arith.mulf %gather3A_53, %mul3A_206 : vector<16xf32>
      tpu.vector_store_idx %arg6[%add3A_23, %broadcast_in_dim3A_226], %mul3A_227 : memref<512x32xf32, #tpu.memory_space<vmem>>[vector<16xi32>, vector<16xi32>], vector<16xf32>,
      %broadcast_in_dim3A_228 = arith.constant 7 : i32
      %broadcast_in_dim3A_229 = vector.broadcast %broadcast_in_dim3A_228 : i32 to vector<16xi32>
      %mul3A_230 = arith.mulf %gather3A_58, %mul3A_206 : vector<16xf32>
      tpu.vector_store_idx %arg6[%add3A_23, %broadcast_in_dim3A_229], %mul3A_230 : memref<512x32xf32, #tpu.memory_space<vmem>>[vector<16xi32>, vector<16xi32>], vector<16xf32>,
      %broadcast_in_dim3A_231 = arith.constant 8 : i32
      %broadcast_in_dim3A_232 = vector.broadcast %broadcast_in_dim3A_231 : i32 to vector<16xi32>
      %mul3A_233 = arith.mulf %gather3A_63, %mul3A_206 : vector<16xf32>
      tpu.vector_store_idx %arg6[%add3A_23, %broadcast_in_dim3A_232], %mul3A_233 : memref<512x32xf32, #tpu.memory_space<vmem>>[vector<16xi32>, vector<16xi32>], vector<16xf32>,
      %broadcast_in_dim3A_234 = arith.constant 9 : i32
      %broadcast_in_dim3A_235 = vector.broadcast %broadcast_in_dim3A_234 : i32 to vector<16xi32>
      %mul3A_236 = arith.mulf %gather3A_68, %mul3A_206 : vector<16xf32>
      tpu.vector_store_idx %arg6[%add3A_23, %broadcast_in_dim3A_235], %mul3A_236 : memref<512x32xf32, #tpu.memory_space<vmem>>[vector<16xi32>, vector<16xi32>], vector<16xf32>,
      %broadcast_in_dim3A_237 = arith.constant 10 : i32
      %broadcast_in_dim3A_238 = vector.broadcast %broadcast_in_dim3A_237 : i32 to vector<16xi32>
      %mul3A_239 = arith.mulf %gather3A_73, %mul3A_206 : vector<16xf32>
      tpu.vector_store_idx %arg6[%add3A_23, %broadcast_in_dim3A_238], %mul3A_239 : memref<512x32xf32, #tpu.memory_space<vmem>>[vector<16xi32>, vector<16xi32>], vector<16xf32>,
      %broadcast_in_dim3A_240 = arith.constant 11 : i32
      %broadcast_in_dim3A_241 = vector.broadcast %broadcast_in_dim3A_240 : i32 to vector<16xi32>
      %mul3A_242 = arith.mulf %gather3A_78, %mul3A_206 : vector<16xf32>
      tpu.vector_store_idx %arg6[%add3A_23, %broadcast_in_dim3A_241], %mul3A_242 : memref<512x32xf32, #tpu.memory_space<vmem>>[vector<16xi32>, vector<16xi32>], vector<16xf32>,
      %broadcast_in_dim3A_243 = arith.constant 12 : i32
      %broadcast_in_dim3A_244 = vector.broadcast %broadcast_in_dim3A_243 : i32 to vector<16xi32>
      %mul3A_245 = arith.mulf %gather3A_83, %mul3A_206 : vector<16xf32>
      tpu.vector_store_idx %arg6[%add3A_23, %broadcast_in_dim3A_244], %mul3A_245 : memref<512x32xf32, #tpu.memory_space<vmem>>[vector<16xi32>, vector<16xi32>], vector<16xf32>,
      %broadcast_in_dim3A_246 = arith.constant 13 : i32
      %broadcast_in_dim3A_247 = vector.broadcast %broadcast_in_dim3A_246 : i32 to vector<16xi32>
      %mul3A_248 = arith.mulf %gather3A_88, %mul3A_206 : vector<16xf32>
      tpu.vector_store_idx %arg6[%add3A_23, %broadcast_in_dim3A_247], %mul3A_248 : memref<512x32xf32, #tpu.memory_space<vmem>>[vector<16xi32>, vector<16xi32>], vector<16xf32>,
      %broadcast_in_dim3A_249 = arith.constant 14 : i32
      %broadcast_in_dim3A_250 = vector.broadcast %broadcast_in_dim3A_249 : i32 to vector<16xi32>
      %mul3A_251 = arith.mulf %gather3A_93, %mul3A_206 : vector<16xf32>
      tpu.vector_store_idx %arg6[%add3A_23, %broadcast_in_dim3A_250], %mul3A_251 : memref<512x32xf32, #tpu.memory_space<vmem>>[vector<16xi32>, vector<16xi32>], vector<16xf32>,
      %broadcast_in_dim3A_252 = arith.constant 15 : i32
      %broadcast_in_dim3A_253 = vector.broadcast %broadcast_in_dim3A_252 : i32 to vector<16xi32>
      %mul3A_254 = arith.mulf %gather3A_98, %mul3A_206 : vector<16xf32>
      tpu.vector_store_idx %arg6[%add3A_23, %broadcast_in_dim3A_253], %mul3A_254 : memref<512x32xf32, #tpu.memory_space<vmem>>[vector<16xi32>, vector<16xi32>], vector<16xf32>,
      %broadcast_in_dim3A_255 = arith.constant 16 : i32
      %broadcast_in_dim3A_256 = vector.broadcast %broadcast_in_dim3A_255 : i32 to vector<16xi32>
      %mul3A_257 = arith.mulf %gather3A_103, %mul3A_206 : vector<16xf32>
      tpu.vector_store_idx %arg6[%add3A_23, %broadcast_in_dim3A_256], %mul3A_257 : memref<512x32xf32, #tpu.memory_space<vmem>>[vector<16xi32>, vector<16xi32>], vector<16xf32>,
      %broadcast_in_dim3A_258 = arith.constant 17 : i32
      %broadcast_in_dim3A_259 = vector.broadcast %broadcast_in_dim3A_258 : i32 to vector<16xi32>
      %mul3A_260 = arith.mulf %gather3A_108, %mul3A_206 : vector<16xf32>
      tpu.vector_store_idx %arg6[%add3A_23, %broadcast_in_dim3A_259], %mul3A_260 : memref<512x32xf32, #tpu.memory_space<vmem>>[vector<16xi32>, vector<16xi32>], vector<16xf32>,
      %broadcast_in_dim3A_261 = arith.constant 18 : i32
      %broadcast_in_dim3A_262 = vector.broadcast %broadcast_in_dim3A_261 : i32 to vector<16xi32>
      %mul3A_263 = arith.mulf %gather3A_113, %mul3A_206 : vector<16xf32>
      tpu.vector_store_idx %arg6[%add3A_23, %broadcast_in_dim3A_262], %mul3A_263 : memref<512x32xf32, #tpu.memory_space<vmem>>[vector<16xi32>, vector<16xi32>], vector<16xf32>,
      %broadcast_in_dim3A_264 = arith.constant 19 : i32
      %broadcast_in_dim3A_265 = vector.broadcast %broadcast_in_dim3A_264 : i32 to vector<16xi32>
      %mul3A_266 = arith.mulf %gather3A_118, %mul3A_206 : vector<16xf32>
      tpu.vector_store_idx %arg6[%add3A_23, %broadcast_in_dim3A_265], %mul3A_266 : memref<512x32xf32, #tpu.memory_space<vmem>>[vector<16xi32>, vector<16xi32>], vector<16xf32>,
      %broadcast_in_dim3A_267 = arith.constant 20 : i32
      %broadcast_in_dim3A_268 = vector.broadcast %broadcast_in_dim3A_267 : i32 to vector<16xi32>
      %mul3A_269 = arith.mulf %gather3A_123, %mul3A_206 : vector<16xf32>
      tpu.vector_store_idx %arg6[%add3A_23, %broadcast_in_dim3A_268], %mul3A_269 : memref<512x32xf32, #tpu.memory_space<vmem>>[vector<16xi32>, vector<16xi32>], vector<16xf32>,
      %broadcast_in_dim3A_270 = arith.constant 21 : i32
      %broadcast_in_dim3A_271 = vector.broadcast %broadcast_in_dim3A_270 : i32 to vector<16xi32>
      %mul3A_272 = arith.mulf %gather3A_128, %mul3A_206 : vector<16xf32>
      tpu.vector_store_idx %arg6[%add3A_23, %broadcast_in_dim3A_271], %mul3A_272 : memref<512x32xf32, #tpu.memory_space<vmem>>[vector<16xi32>, vector<16xi32>], vector<16xf32>,
      %broadcast_in_dim3A_273 = arith.constant 22 : i32
      %broadcast_in_dim3A_274 = vector.broadcast %broadcast_in_dim3A_273 : i32 to vector<16xi32>
      %mul3A_275 = arith.mulf %gather3A_133, %mul3A_206 : vector<16xf32>
      tpu.vector_store_idx %arg6[%add3A_23, %broadcast_in_dim3A_274], %mul3A_275 : memref<512x32xf32, #tpu.memory_space<vmem>>[vector<16xi32>, vector<16xi32>], vector<16xf32>,
      %broadcast_in_dim3A_276 = arith.constant 23 : i32
      %broadcast_in_dim3A_277 = vector.broadcast %broadcast_in_dim3A_276 : i32 to vector<16xi32>
      %mul3A_278 = arith.mulf %gather3A_138, %mul3A_206 : vector<16xf32>
      tpu.vector_store_idx %arg6[%add3A_23, %broadcast_in_dim3A_277], %mul3A_278 : memref<512x32xf32, #tpu.memory_space<vmem>>[vector<16xi32>, vector<16xi32>], vector<16xf32>,
      %broadcast_in_dim3A_279 = arith.constant 24 : i32
      %broadcast_in_dim3A_280 = vector.broadcast %broadcast_in_dim3A_279 : i32 to vector<16xi32>
      %mul3A_281 = arith.mulf %gather3A_143, %mul3A_206 : vector<16xf32>
      tpu.vector_store_idx %arg6[%add3A_23, %broadcast_in_dim3A_280], %mul3A_281 : memref<512x32xf32, #tpu.memory_space<vmem>>[vector<16xi32>, vector<16xi32>], vector<16xf32>,
      %broadcast_in_dim3A_282 = arith.constant 25 : i32
      %broadcast_in_dim3A_283 = vector.broadcast %broadcast_in_dim3A_282 : i32 to vector<16xi32>
      %mul3A_284 = arith.mulf %gather3A_148, %mul3A_206 : vector<16xf32>
      tpu.vector_store_idx %arg6[%add3A_23, %broadcast_in_dim3A_283], %mul3A_284 : memref<512x32xf32, #tpu.memory_space<vmem>>[vector<16xi32>, vector<16xi32>], vector<16xf32>,
      %broadcast_in_dim3A_285 = arith.constant 26 : i32
      %broadcast_in_dim3A_286 = vector.broadcast %broadcast_in_dim3A_285 : i32 to vector<16xi32>
      %mul3A_287 = arith.mulf %gather3A_153, %mul3A_206 : vector<16xf32>
      tpu.vector_store_idx %arg6[%add3A_23, %broadcast_in_dim3A_286], %mul3A_287 : memref<512x32xf32, #tpu.memory_space<vmem>>[vector<16xi32>, vector<16xi32>], vector<16xf32>,
      %broadcast_in_dim3A_288 = arith.constant 27 : i32
      %broadcast_in_dim3A_289 = vector.broadcast %broadcast_in_dim3A_288 : i32 to vector<16xi32>
      %mul3A_290 = arith.mulf %gather3A_158, %mul3A_206 : vector<16xf32>
      tpu.vector_store_idx %arg6[%add3A_23, %broadcast_in_dim3A_289], %mul3A_290 : memref<512x32xf32, #tpu.memory_space<vmem>>[vector<16xi32>, vector<16xi32>], vector<16xf32>,
      %broadcast_in_dim3A_291 = arith.constant 28 : i32
      %broadcast_in_dim3A_292 = vector.broadcast %broadcast_in_dim3A_291 : i32 to vector<16xi32>
      %mul3A_293 = arith.mulf %gather3A_163, %mul3A_206 : vector<16xf32>
      tpu.vector_store_idx %arg6[%add3A_23, %broadcast_in_dim3A_292], %mul3A_293 : memref<512x32xf32, #tpu.memory_space<vmem>>[vector<16xi32>, vector<16xi32>], vector<16xf32>,
      %broadcast_in_dim3A_294 = arith.constant 29 : i32
      %broadcast_in_dim3A_295 = vector.broadcast %broadcast_in_dim3A_294 : i32 to vector<16xi32>
      %mul3A_296 = arith.mulf %gather3A_168, %mul3A_206 : vector<16xf32>
      tpu.vector_store_idx %arg6[%add3A_23, %broadcast_in_dim3A_295], %mul3A_296 : memref<512x32xf32, #tpu.memory_space<vmem>>[vector<16xi32>, vector<16xi32>], vector<16xf32>,
      %broadcast_in_dim3A_297 = arith.constant 30 : i32
      %broadcast_in_dim3A_298 = vector.broadcast %broadcast_in_dim3A_297 : i32 to vector<16xi32>
      %mul3A_299 = arith.mulf %gather3A_173, %mul3A_206 : vector<16xf32>
      tpu.vector_store_idx %arg6[%add3A_23, %broadcast_in_dim3A_298], %mul3A_299 : memref<512x32xf32, #tpu.memory_space<vmem>>[vector<16xi32>, vector<16xi32>], vector<16xf32>,
      %broadcast_in_dim3A_300 = arith.constant 31 : i32
      %broadcast_in_dim3A_301 = vector.broadcast %broadcast_in_dim3A_300 : i32 to vector<16xi32>
      %mul3A_302 = arith.mulf %gather3A_178, %mul3A_206 : vector<16xf32>
      tpu.vector_store_idx %arg6[%add3A_23, %broadcast_in_dim3A_301], %mul3A_302 : memref<512x32xf32, #tpu.memory_space<vmem>>[vector<16xi32>, vector<16xi32>], vector<16xf32>,
    }
    %scan3A_18 = arith.constant 32 : i32
    "tpu.region"() ({
      %run_scoped3A = tpu.sem_alloc : memref<!tpu.dma_semaphore, #tpu.memory_space<semaphore_mem>>
      %dma_start3A = arith.constant 0 : i32
      %dma_start3A_19 = tpu.memref_slice %arg4[%mul3A_2, %dma_start3A] : memref<16384x32xf32, #tpu.memory_space<hbm>> -> memref<512x32xf32, #tpu.memory_space<hbm>>
      %dma_start3A_20 = arith.constant 0 : i32
      %dma_start3A_21 = tpu.memref_slice %arg4[%mul3A_2, %dma_start3A_20] : memref<16384x32xf32, #tpu.memory_space<hbm>> -> memref<512x32xf32, #tpu.memory_space<hbm>>
      tpu.enqueue_dma source(%arg6 : memref<512x32xf32, #tpu.memory_space<vmem>>) target(%dma_start3A_21 : memref<512x32xf32, #tpu.memory_space<hbm>>) target_semaphore(%run_scoped3A : memref<!tpu.dma_semaphore, #tpu.memory_space<semaphore_mem>>)
      %dma_wait3A_22 = arith.constant 0 : i32
      %dma_wait3A_23 = tpu.memref_slice %arg4[%mul3A_2, %dma_wait3A_22] : memref<16384x32xf32, #tpu.memory_space<hbm>> -> memref<512x32xf32, #tpu.memory_space<hbm>>
      %dma_wait3A_24 = arith.constant 0 : i32
      %dma_wait3A_25 = tpu.memref_slice %arg4[%mul3A_2, %dma_wait3A_24] : memref<16384x32xf32, #tpu.memory_space<hbm>> -> memref<512x32xf32, #tpu.memory_space<hbm>>
      tpu.wait_dma2 semaphore(%run_scoped3A : memref<!tpu.dma_semaphore, #tpu.memory_space<semaphore_mem>>) src(%arg6 : memref<512x32xf32, #tpu.memory_space<vmem>>) dst(%dma_wait3A_25 : memref<512x32xf32, #tpu.memory_space<hbm>>)
      tpu.yield
    }) : () -> ()
    return
  }
}

</mosaic_0001>

<sc_bundles>
// kernel: kernel.3.cloned.1.call-start
scs
__scs_entry_jumppad:
0x0: {  	(pc) =	sbr.rel $0x88, $3  }
0x1: {  	(tag) =	ssettag $0x0;
	lr =	simm.s32 $0x1  }
0x2: {  	[smem:$0x3F9F] =	sst lr;
	_ =	strace $0xD0000000  }
0x3: {  	_ = 	snop  }
0x4: {  	_ = 	snop  }
0x5: {  	_ = 	snop  }
0x6: {  	_ = 	snop  }
0x7: {  	_ = 	snop  }
__scs_overlays_trampoline_lowered:
0x8: {  	[smem:$0x3FAE] =	sst s0  }
0x9: {  	[smem:$0x3FAF] =	sst s1  }
0xa: {  	[smem:$0x3FB0] =	sst s2  }
0xb: {  	[smem:$0x3FB1] =	sst s3  }
0xc: {  	[smem:$0x3FB2] =	sst s4  }
0xd: {  	[smem:$0x3FB3] =	sst s5  }
0xe: {  	[smem:$0x3FB4] =	sst s6  }
0xf: {  	[smem:$0x3FB5] =	sst s7  }
0x10: {  	[smem:$0x3FB6] =	sst s8  }
0x11: {  	[smem:$0x3FB7] =	sst s9;
	s0 =	simm.s32 @!p0 $0x0  }
0x12: {  	s1 =	sld [smem:$0x3F9D];
	s0 =	simm.s32 @p0 $0x1  }
0x13: {  	[smem:$0x3FB8] =	sst s0;
	s0 =	simm.s32 @!p1 $0x0  }
0x14: {  	s2 =	sld [smem:$0x3F9C];
	s0 =	simm.s32 @p1 $0x1  }
0x15: {  	[smem:$0x3FB9] =	sst s0;
	s0 =	simm.s32 @!p2 $0x0  }
0x16: {  	s3 =	sld [smem:$0x3FDB];
	s0 =	simm.s32 @p2 $0x1  }
0x17: {  	s4 =	simm.s32 $0x1BF5;
	[smem:$0x3FBB] =	sst s0  }
0x18: {  	s0 =	sld [smem:$0x3F9E];
	_ =	swait.ge [sflag:s4], $0x0  }
0x19: {  	s7 =	sld [smem:$0x3F9F]  }
0x1a: {  	s8 =	sadd.s32 $0xFFFFE003, lr  }
0x1b: {  	s9 =	sadd.s32 $0xFFFFFEF7, lr;
	s5 =	simm.s32 $0xFFFFFFFF;
	p2 =	slt.u32 s8, $0xFFFFF086  }
0x1c: {  	p1 =	slt.u32 s9, $0xF7A;
	s5 =	simm.s32 @!p2 $0x0  }
0x1d: {  	s5 =	simm.s32 @p1 $0x1;
	p0 =	seq.s32 s7, s2  }
0x1e: {  	s7 =	smul.u32 @!p0 $0xF7A, s2;
	p2 =	seq.s32 @!p0 s5, $0x0  }
0x1f: {  	s9 =	smul.u32 $0xF7A, s1;
	s8 =	simm.s32 @!p0 $0x1BF5;
	p2 =	por !p2, p0  }
0x20: {  	[sflag:s8] =	ssyncset.s32 @!p0 $0xFFFFF086;
	s6 =	sadd.s32 @!p0 s3, s7;
	s7 =	simm.s32 @!p0 $0x108  }
0x21: {  	s3 =	sadd.s32 s3, s9;
	s6 =	sadd.s32 @!p0 $0x88, s6;
	s7 =	simm.s32 @p2 $0x1082  }
0x22: {  	[simem:s7], [sflag:s8] =	dma.local @!p0 [hbm:s6], $0xF7A  }
0x23: {  	s9 =	sor.u32 $0xD0000000, s2;
	s6 =	simm.s32 $0x108;
	_ =	swait.ge @!p0 [sflag:s8], $0x0  }
0x24: {  	s3 =	sadd.s32 $0x88, s3;
	s6 =	simm.s32 @!p1 $0x1082;
	[sflag:s4] =	ssyncset.s32 $0xFFFFF086  }
0x25: {  	[simem:s6], [sflag:s4] =	dma.local [hbm:s3], $0xF7A  }
0x26: {  	[smem:$0x3F9F] =	sst s1;
	(tag) =	ssettag s2;
	_ =	strace s9  }
0x27: {  	s1 =	sld [smem:$0x3FAF]  }
0x28: {  	s2 =	sld [smem:$0x3FB0]  }
0x29: {  	s4 =	sld [smem:$0x3FB2]  }
0x2a: {  	p0 =	seq.s32 s5, $0x0;
	s5 =	sld [smem:$0x3FB3]  }
0x2b: {  	s6 =	sld [smem:$0x3FB4]  }
0x2c: {  	s7 =	sld [smem:$0x3FB5]  }
0x2d: {  	s3 =	simm.s32 $0x108;
	s8 =	sld [smem:$0x3FB6]  }
0x2e: {  	s3 =	simm.s32 @!p0 $0x1082;
	s9 =	sld [smem:$0x3FB7]  }
0x2f: {  	lr =	sadd.s32 s0, s3;
	s0 =	sld [smem:$0x3FAE]  }
0x30: {  	s3 =	sld [smem:$0x3FB1]  }
0x31: {  	[smem:$0x3FBA] =	sst s10  }
0x32: {  	s10 =	sld [smem:$0x3FB8];
	_ =	sdelay $0x3  }
0x33: {  	p0 =	seq.s32 s10, $0x1;
	s10 =	sld [smem:$0x3FBA];
	_ =	sdelay $0x3  }
0x34: {  	[smem:$0x3FBA] =	sst s10  }
0x35: {  	s10 =	sld [smem:$0x3FB9];
	_ =	sdelay $0x3  }
0x36: {  	p1 =	seq.s32 s10, $0x1;
	s10 =	sld [smem:$0x3FBA];
	_ =	sdelay $0x3  }
0x37: {  	[smem:$0x3FBA] =	sst s10  }
0x38: {  	s10 =	sld [smem:$0x3FBB]  }
0x39: {  	_ = 	snop;
	(pc) =	sbr.ind lr, $3  }
0x3a: {  	_ = 	snop  }
0x3b: {  	_ = 	snop  }
0x3c: {  	p2 =	seq.s32 s10, $0x1;
	s10 =	sld [smem:$0x3FBA]  }
0x3d: {  	_ =	shalt  }
0x3e: {  	_ =	shalt  }
0x3f: {  	_ =	shalt  }
0x40: {  	_ =	shalt  }
0x41: {  	_ =	shalt  }
0x42: {  	_ =	shalt  }
0x43: {  	_ =	shalt  }
0x44: {  	_ =	shalt  }
0x45: {  	_ =	shalt  }
0x46: {  	_ =	shalt  }
0x47: {  	_ =	shalt  }
0x48: {  	_ =	shalt  }
0x49: {  	_ =	shalt  }
0x4a: {  	_ =	shalt  }
0x4b: {  	_ =	shalt  }
0x4c: {  	_ =	shalt  }
0x4d: {  	_ =	shalt  }
0x4e: {  	_ =	shalt  }
0x4f: {  	_ =	shalt  }
0x50: {  	_ =	shalt  }
0x51: {  	_ =	shalt  }
0x52: {  	_ =	shalt  }
0x53: {  	_ =	shalt  }
0x54: {  	_ =	shalt  }
0x55: {  	_ =	shalt  }
0x56: {  	_ =	shalt  }
0x57: {  	_ =	shalt  }
0x58: {  	_ =	shalt  }
0x59: {  	_ =	shalt  }
0x5a: {  	_ =	shalt  }
0x5b: {  	_ =	shalt  }
0x5c: {  	_ =	shalt  }
0x5d: {  	_ =	shalt  }
0x5e: {  	_ =	shalt  }
0x5f: {  	_ =	shalt  }
0x60: {  	_ =	shalt  }
0x61: {  	_ =	shalt  }
0x62: {  	_ =	shalt  }
0x63: {  	_ =	shalt  }
0x64: {  	_ =	shalt  }
0x65: {  	_ =	shalt  }
0x66: {  	_ =	shalt  }
0x67: {  	_ =	shalt  }
0x68: {  	_ =	shalt  }
0x69: {  	_ =	shalt  }
0x6a: {  	_ =	shalt  }
0x6b: {  	_ =	shalt  }
0x6c: {  	_ =	shalt  }
0x6d: {  	_ =	shalt  }
0x6e: {  	_ =	shalt  }
0x6f: {  	_ =	shalt  }
0x70: {  	_ =	shalt  }
0x71: {  	_ =	shalt  }
0x72: {  	_ =	shalt  }
0x73: {  	_ =	shalt  }
0x74: {  	_ =	shalt  }
0x75: {  	_ =	shalt  }
0x76: {  	_ =	shalt  }
0x77: {  	_ =	shalt  }
0x78: {  	_ =	shalt  }
0x79: {  	_ =	shalt  }
0x7a: {  	_ =	shalt  }
0x7b: {  	_ =	shalt  }
0x7c: {  	_ =	shalt  }
0x7d: {  	_ =	shalt  }
0x7e: {  	_ =	shalt  }
0x7f: {  	_ =	shalt  }
0x80: {  	_ =	shalt  }
0x81: {  	_ =	shalt  }
0x82: {  	_ =	shalt  }
0x83: {  	_ =	shalt  }
0x84: {  	_ =	shalt  }
0x85: {  	_ =	shalt  }
0x86: {  	_ =	shalt  }
0x87: {  	_ =	shalt  }
.Lfunc_end0:
.L_simem_size_0:
called_computation_lowered:
.L_overlay_start_0:
0x88: {  	s2 =	sld [smem:$0x3FD9]  }
0x89: {  	s3 =	sld [smem:$0x3FFE];
	_ =	sdelay $0x1  }
0x8a: {  	s1 =	srdreg.scid  }
0x8b: {  	s0 =	sand.u32 $0x1, s1  }
0x8c: {  	s17 =	sshll.u32 s0, $0xA;
	s2 =	sadd.s32 s3, s2  }
0x8d: {  	s2 =	sadd.s32 s2, s17  }
0x8e: {  	[smem:$0x3FC6] =	sst s2  }
0x8f: {  	_ = 	snop  }
0x90: {  	s2 =	sld [smem:$0x3FC9];
	(tm) =	ssettm $0x1  }
0x91: {  	s18 =	sld [smem:$0x3FFB];
	_ =	sdelay $0x3  }
0x92: {  	_ =	strace s18  }
0x93: {  	s3 =	sld [smem:$0x3FFC];
	_ =	sdelay $0x3  }
0x94: {  	_ =	strace s3  }
0x95: {  	s3 =	sld [smem:$0x3FFD];
	_ =	sdelay $0x3  }
0x96: {  	_ =	strace s3  }
0x97: {  	_ =	strace $0x8FFFFFFF  }
0x98: {  	s19 =	sld [smem:$0x3FDB];
	_ =	sdelay $0x1  }
0x99: {  	s4 =	simm.s32 $_scs_section_size  }
0x9a: {  	s5 =	simm.s32 $_size__tile_overlayer_lowered;
	s6 =	simm.s32 $_tile_overlayer_lowered  }
0x9b: {  	s22 =	simm.s32 $0x1BFF;
	s21 =	sshll.u32 s6, $0x1;
	s3 =	sadd.s32 s4, s19  }
0x9c: {  	s7 =	simm.s32 $0x0;
	s20 =	sshll.u32 s5, $0x1;
	s5 =	sadd.s32 s21, s3  }
0x9d: {  	[timem:s7], [sflag:s22] =	dma.local [hbm:s5], s20  }
0x9e: {  	_ =	swait.ge [sflag:s22], s20  }
0x9f: {  	s4 =	ssub.s32 $0x0, s20;
	[sflag:s22] =	ssyncset.done $0x0  }
0xa0: {  	[sflag:s22] =	ssyncadd.s32 s4;
	_ =	sdelay $0x1  }
0xa1: {  	s23 =	simm.s32 $0x1B8B  }
0xa2: {  	_ =	swait.ge [sflag:s23], $0x1  }
0xa3: {  	[sflag:s23] =	ssyncset.done $0x0  }
0xa4: {  	s25 =	simm.s32 $0x1B8E;
	s24 =	sld [smem:$0x3FFE];
	[sflag:s23] =	ssyncadd.s32 $0xFFFFFFFF  }
0xa5: {  	s26 =	simm.s32 $execute0_lowered;
	[smem:$0x3FD2] =	sst s25  }
0xa6: {  	s5 =	sshll.u32 s26, $0x1;
	_ =	strace $0x80000046;
	[dreg:$0x1] =	wrdreg $0xFFFFFFFF  }
0xa7: {  	s28 =	simm.s32 $_size_execute0_lowered;
	s3 =	sadd.s32 s3, s5;
	[dreg:$0x0] =	wrdreg $0x0  }
0xa8: {  	s5 =	sshll.u32 s28, $0x1;
	[dreg:$0x2] =	wrdreg s3  }
0xa9: {  	[dreg:$0x3] =	wrdreg s5  }
0xaa: {  	[dreg:$0x4] =	wrdreg $0xC0  }
0xab: {  	_ =	task [dreg:s7], $0x5FFFF  }
0xac: {  	[dreg:$0x1] =	wrdreg $0xFFFFFFFF  }
0xad: {  	[dreg:$0x0] =	wrdreg $0x60  }
0xae: {  	[dreg:$0x2] =	wrdreg s2  }
0xaf: {  	[dreg:$0x3] =	wrdreg s24  }
0xb0: {  	[dreg:$0x4] =	wrdreg $0x9  }
0xb1: {  	_ =	task.clear_ibuf [dreg:s7], $0x5FFFF;
	_ =	strace $0x90000046  }
0xb2: {  	s29 =	simm.s32 $0x9;
	_ =	strace $0x80000048  }
0xb3: {  	_ =	swait.ge [sflag:s29], $0x1  }
0xb4: {  	[sflag:s29] =	ssyncadd.s32 $0xFFFFFFFF  }
0xb5: {  	_ =	strace $0x90000048  }
0xb6: {  	_ =	sfence  }
0xb7: {  	s30 =	sld [smem:$0x0];
	_ =	sdelay $0x2  }
0xb8: {  	s31 =	sshll.u32 s1, $0xD;
	s1 =	sshrl.u32 s1, $0x2  }
0xb9: {  	s3 =	sand.u32 $0x4000, s31;
	s1 =	sadd.s32 s1, s30  }
0xba: {  	s0 =	sor.u32 s3, s0;
	s1 =	sshll.u32 s1, $0x11  }
0xbb: {  	s0 =	sor.u32 s1, s0  }
0xbc: {  	s0 =	sadd.s32 $0x8F2B, s0  }
0xbd: {  	[sflag:s0] =	ssyncadd.remote.s32 $0x1  }
0xbe: {  	_ =	sfence.sel $0xFFFF  }
0xbf: {  	[dreg:$0x0] =	wrdreg $0xFFFFFFFF;
	(pc) =	sbr.abs _section_cstart, $3  }
0xc0: {  	[dreg:$0x1] =	wrdreg $0xFFFFFFFF  }
0xc1: {  	_ =	task.clear_ibuf [dreg:s7], $0x2FFFF;
	_ =	strace $0x9FFFFFFF  }
0xc2: {  	(tm) =	ssettm $0x7FFFFFFF  }
0xc3: {  	_ =	shalt  }
tec
execute0_lowered:
.L_overlay_start_1:
0x0: {  	(tag) =	ssettag $0x1  }
0x1: {  	s4 =	rddreg [dreg:$0x0]  }
0x2: {  	s5 =	rddreg [dreg:$0x1]  }
0x3: {  	s0 =	rddreg [dreg:$0x2];
	s2 =	simm.s32 $0x0;
	s3 =	srdreg.scid  }
0x4: {  	s1 =	stileid.u32;
	s10 =	simm.s32 $0x0;
	s6 =	sand.u32 $0x1, s3  }
0x5: {  	[smem:$0x7FF] =	sst s2;
	s7 =	sshll.u32 s1, $0xA;
	s8 =	sshll.u32 s6, $0x9  }
0x6: {  	s3 =	sadd.s32 $0x400, s5;
	s6 =	ssub.s32 $0x2, s6;
	s7 =	sor.u32 s8, s7  }
0x7: {  	v0 =	vlaneseq.u32;
	_ =	strace $0x80000047;
	s9 =	sshrl.u32 s6, $0x1;
	s8 =	sshll.u32 s7, $0x4  }
0x8: {  	v1 =	vmul.u32 $0x80, v0;
	s7 =	sshrl.u32 s7, $0x3;
	s6 =	ssub.s32 s6, s9;
	s9 =	simm.s32 $0x200  }
0x9: {  	s5 =	sadd.s32 s8, s5;
	s4 =	sadd.s32 s4, s7;
	s6 =	smax.u32 s6, $0x1  }
0xa: {  	[tilespmem:$0x1FFF0] =	vst v1;
	s7 =	simm.s32 $0x2;
	s8 =	simm.s32 $0x1;
	s5 =	sadd.s32 $0xF42800, s5  }
.LBB2_1:
0xb: {  	[tilespmem:s2], [sflag:$0x2] =	stream.linear.gather [hbm4b:s4+s2], $0x200, $0x38;
	[tilespmem:$0x10200] =	vst v63  }
0xc: {  	_ =	swait.ge [sflag:s7], $0x200  }
0xd: {  	[sflag:s7] =	ssyncset.done $0x0  }
0xe: {  	[sflag:s7] =	ssyncadd.s32 $0xFFFFFE00  }
0xf: {  	v0 =	vld [tilespmem:s2+$0x0];
	_ =	sdelay $0x4  }
0x10: {  	v0 =	vshll.u32 v0, $0x4  }
0x11: {  	(v2sf) =	vpush v0, $0x0  }
0x12: {  	(v2sf) =	vpush v0, $0x1  }
0x13: {  	(v2sf) =	vpush v0, $0x2;
	_ =	sdelay $0x1  }
0x14: {  	(v2sf) =	vpush v0, $0x4;
	_ =	sdelay $0x1  }
0x15: {  	(v2sf) =	vpush v0, $0x3  }
0x16: {  	(v2sf) =	vpush v0, $0x5  }
0x17: {  	s12 =	simm.s32 $0x2000;
	s11 =	simm.s32 $0x0;
	s13 =	simm.s32 $0x0;
	(v2sf) =	vpush v0, $0x6  }
.LBB2_2:
0x18: {  	p0 =	sne.s32 s12, $0x3E000  }
0x19: {  	s23 =	sadd.s32 $0x280, s11;
	s17 =	sadd.s32 $0x780, s11;
	s14 =	smov.u32 s12  }
0x1a: {  	s12 =	sadd.s32 $0x2000, s12;
	s20 =	sadd.s32 $0x580, s11;
	s15 =	sadd.s32 $0x800, s11;
	(v2sf) =	vpush v0, $0x7  }
0x1b: {  	s22 =	sadd.s32 $0x480, s11;
	s19 =	sadd.s32 $0x600, s11;
	s16 =	sadd.s32 $0x880, s11  }
0x1c: {  	s24 =	sadd.s32 $0x200, s11;
	s25 =	sadd.s32 $0x400, s11;
	(v2sf) =	vpush v0, $0x8  }
0x1d: {  	s26 =	sadd.s32 $0x500, s11;
	s13 =	sadd.s32 $0x10, s13  }
0x1e: {  	s28 =	sadd.s32 $0x300, s11;
	s18 =	sadd.s32 $0x700, s11;
	s21 =	spop (v2sf);
	(v2sf) =	vpush v0, $0x9  }
0x1f: {  	s29 =	sand.u32 $0x1FFFFFF0, s21;
	s21 =	sadd.s32 $0x680, s11;
	s30 =	spop (v2sf)  }
0x20: {  	s29 =	sadd.s32 s3, s29;
	s30 =	sand.u32 $0x1FFFFFF0, s30;
	s31 =	spop (v2sf);
	(v2sf) =	vpush v0, $0xA  }
0x21: {  	[tilespmem:s24], [sflag:$0x1] =	stream.linear.gather [hbm4b:s29+s2], $0x80, $0x38;
	[tilespmem:$0x10200] =	vst v63  }
0x22: {  	s24 =	sadd.s32 s3, s30;
	s29 =	sadd.s32 $0x380, s11;
	s30 =	spop (v2sf);
	(v2sf) =	vpush v0, $0xB  }
0x23: {  	[tilespmem:s23], [sflag:$0x1] =	stream.linear.gather [hbm4b:s24+s2], $0x80, $0x38;
	[tilespmem:$0x10200] =	vst v63  }
0x24: {  	s23 =	sand.u32 $0x1FFFFFF0, s31;
	s24 =	sand.u32 $0x1FFFFFF0, s30;
	s30 =	spop (v2sf);
	(v2sf) =	vpush v0, $0xC  }
0x25: {  	s23 =	sadd.s32 s3, s23;
	s30 =	sand.u32 $0x1FFFFFF0, s30;
	s31 =	spop (v2sf)  }
0x26: {  	[tilespmem:s28], [sflag:$0x1] =	stream.linear.gather [hbm4b:s23+s2], $0x80, $0x38;
	(v2sf) =	vpush v0, $0xD;
	[tilespmem:$0x10200] =	vst v63  }
0x27: {  	s23 =	sadd.s32 s3, s30;
	s28 =	sand.u32 $0x1FFFFFF0, s31;
	s30 =	spop (v2sf)  }
0x28: {  	[tilespmem:s29], [sflag:$0x1] =	stream.linear.gather [hbm4b:s23+s2], $0x80, $0x38;
	(v2sf) =	vpush v0, $0xE;
	[tilespmem:$0x10200] =	vst v63  }
0x29: {  	s23 =	sadd.s32 s3, s24;
	s24 =	sand.u32 $0x1FFFFFF0, s30;
	s29 =	spop (v2sf)  }
0x2a: {  	[tilespmem:s25], [sflag:$0x1] =	stream.linear.gather [hbm4b:s23+s2], $0x80, $0x38;
	(v2sf) =	vpush v0, $0xF;
	[tilespmem:$0x10200] =	vst v63  }
0x2b: {  	s23 =	sadd.s32 s3, s28;
	s25 =	sand.u32 $0x1FFFFFF0, s29;
	s28 =	spop (v2sf)  }
0x2c: {  	[tilespmem:s22], [sflag:$0x1] =	stream.linear.gather [hbm4b:s23+s2], $0x80, $0x38;
	[tilespmem:$0x10200] =	vst v63  }
0x2d: {  	s22 =	sadd.s32 s3, s24;
	s23 =	sand.u32 $0x1FFFFFF0, s28;
	s24 =	spop (v2sf)  }
0x2e: {  	[tilespmem:s26], [sflag:$0x1] =	stream.linear.gather [hbm4b:s22+s2], $0x80, $0x38;
	[tilespmem:$0x10200] =	vst v63  }
0x2f: {  	s22 =	sadd.s32 s3, s25;
	s24 =	sand.u32 $0x1FFFFFF0, s24;
	s25 =	spop (v2sf)  }
0x30: {  	[tilespmem:s20], [sflag:$0x1] =	stream.linear.gather [hbm4b:s22+s2], $0x80, $0x38;
	[tilespmem:$0x10200] =	vst v63  }
0x31: {  	s20 =	sadd.s32 s3, s23;
	s22 =	sand.u32 $0x1FFFFFF0, s25;
	s23 =	spop (v2sf)  }
0x32: {  	[tilespmem:s19], [sflag:$0x1] =	stream.linear.gather [hbm4b:s20+s2], $0x80, $0x38;
	[tilespmem:$0x10200] =	vst v63  }
0x33: {  	s19 =	sadd.s32 s3, s24;
	s20 =	sand.u32 $0x1FFFFFF0, s23;
	s23 =	spop (v2sf)  }
0x34: {  	[tilespmem:s21], [sflag:$0x1] =	stream.linear.gather [hbm4b:s19+s2], $0x80, $0x38;
	[tilespmem:$0x10200] =	vst v63  }
0x35: {  	s19 =	sadd.s32 s3, s22;
	s21 =	sand.u32 $0x1FFFFFF0, s23;
	s22 =	spop (v2sf)  }
0x36: {  	[tilespmem:s18], [sflag:$0x1] =	stream.linear.gather [hbm4b:s19+s2], $0x80, $0x38;
	[tilespmem:$0x10200] =	vst v63  }
0x37: {  	s18 =	sadd.s32 s3, s20;
	s19 =	sand.u32 $0x1FFFFFF0, s22;
	s20 =	spop (v2sf)  }
0x38: {  	[tilespmem:s17], [sflag:$0x1] =	stream.linear.gather [hbm4b:s18+s2], $0x80, $0x38;
	[tilespmem:$0x10200] =	vst v63  }
0x39: {  	s17 =	sadd.s32 s3, s21;
	s18 =	sand.u32 $0x1FFFFFF0, s20;
	s20 =	spop (v2sf)  }
0x3a: {  	[tilespmem:s15], [sflag:$0x1] =	stream.linear.gather [hbm4b:s17+s2], $0x80, $0x38;
	[tilespmem:$0x10200] =	vst v63  }
0x3b: {  	s15 =	sadd.s32 s3, s19;
	s17 =	sand.u32 $0x1FFFFFF0, s20  }
0x3c: {  	[tilespmem:s16], [sflag:$0x1] =	stream.linear.gather [hbm4b:s15+s2], $0x80, $0x38;
	[tilespmem:$0x10200] =	vst v63  }
0x3d: {  	s15 =	sadd.s32 $0x900, s11;
	s16 =	sadd.s32 s3, s18  }
0x3e: {  	[tilespmem:s15], [sflag:$0x1] =	stream.linear.gather [hbm4b:s16+s2], $0x80, $0x38;
	[tilespmem:$0x10200] =	vst v63  }
0x3f: {  	s11 =	sadd.s32 $0x980, s11;
	s15 =	sadd.s32 s3, s17  }
0x40: {  	[tilespmem:s11], [sflag:$0x1] =	stream.linear.gather [hbm4b:s15+s2], $0x80, $0x38;
	[tilespmem:$0x10200] =	vst v63  }
0x41: {  	v0 =	vld [tilespmem:s13+$0x0];
	_ =	sdelay $0x4  }
0x42: {  	v0 =	vshll.u32 v0, $0x4  }
0x43: {  	(v2sf) =	vpush v0, $0x0  }
0x44: {  	(v2sf) =	vpush v0, $0x1  }
0x45: {  	(v2sf) =	vpush v0, $0x2;
	_ =	sdelay $0x1  }
0x46: {  	(v2sf) =	vpush v0, $0x4  }
.Ltmp0:
0x47: {  	(pc) =	sbr.rel @p0 .LBB2_2-.Ltmp0, $3  }
0x48: {  	(v2sf) =	vpush v0, $0x3  }
0x49: {  	(v2sf) =	vpush v0, $0x5;
	_ =	sdelay $0x1  }
0x4a: {  	s11 =	sshra.s32 s14, $0x2;
	(v2sf) =	vpush v0, $0x6  }
0x4b: {  	_ =	sdelay $0x1  }
0x4c: {  	(v2sf) =	vpush v0, $0x7  }
0x4d: {  	s13 =	sadd.s32 $0x280, s11;
	s12 =	sadd.s32 $0x780, s11;
	s14 =	sadd.s32 $0x580, s11  }
0x4e: {  	s15 =	sadd.s32 $0x480, s11;
	s16 =	sadd.s32 $0x600, s11;
	s17 =	sadd.s32 $0x200, s11;
	(v2sf) =	vpush v0, $0x8  }
0x4f: {  	s18 =	sadd.s32 $0x400, s11;
	s19 =	sadd.s32 $0x500, s11;
	s20 =	spop (v2sf)  }
0x50: {  	s21 =	sadd.s32 $0x300, s11;
	s20 =	sand.u32 $0x1FFFFFF0, s20;
	s22 =	spop (v2sf)  }
0x51: {  	s20 =	sadd.s32 s3, s20;
	s22 =	sand.u32 $0x1FFFFFF0, s22;
	s23 =	spop (v2sf)  }
0x52: {  	(v2sf) =	vpush v0, $0x9;
	[tilespmem:s17], [sflag:$0x1] =	stream.linear.gather [hbm4b:s20+s2], $0x80, $0x38;
	[tilespmem:$0x10200] =	vst v63  }
0x53: {  	s24 =	sadd.s32 $0x380, s11;
	s30 =	sadd.s32 s3, s22;
	s31 =	spop (v2sf)  }
0x54: {  	(v2sf) =	vpush v0, $0xA;
	[tilespmem:s13], [sflag:$0x1] =	stream.linear.gather [hbm4b:s30+s2], $0x80, $0x38;
	[tilespmem:$0x10200] =	vst v63  }
0x55: {  	s17 =	sadd.s32 $0x700, s11;
	s25 =	sand.u32 $0x1FFFFFF0, s23;
	s26 =	spop (v2sf)  }
0x56: {  	(v2sf) =	vpush v0, $0xB;
	s20 =	sadd.s32 s3, s25;
	s13 =	sadd.s32 $0x680, s11;
	s23 =	sand.u32 $0x1FFFFFF0, s26  }
0x57: {  	[tilespmem:s21], [sflag:$0x1] =	stream.linear.gather [hbm4b:s20+s2], $0x80, $0x38;
	[tilespmem:$0x10200] =	vst v63  }
0x58: {  	s28 =	sand.u32 $0x1FFFFFF0, s31;
	(v2sf) =	vpush v0, $0xC;
	s29 =	spop (v2sf);
	s30 =	sadd.s32 s3, s23  }
0x59: {  	[tilespmem:s24], [sflag:$0x1] =	stream.linear.gather [hbm4b:s30+s2], $0x80, $0x38;
	[tilespmem:$0x10200] =	vst v63  }
0x5a: {  	(v2sf) =	vpush v0, $0xD;
	s20 =	sadd.s32 s3, s28;
	s21 =	sand.u32 $0x1FFFFFF0, s29;
	s31 =	spop (v2sf)  }
0x5b: {  	s21 =	sadd.s32 s3, s21;
	s22 =	sand.u32 $0x1FFFFFF0, s31;
	s23 =	spop (v2sf)  }
0x5c: {  	(v2sf) =	vpush v0, $0xE;
	[tilespmem:s18], [sflag:$0x1] =	stream.linear.gather [hbm4b:s20+s2], $0x80, $0x38;
	[tilespmem:$0x10200] =	vst v63  }
0x5d: {  	s24 =	sand.u32 $0x1FFFFFF0, s23;
	s25 =	spop (v2sf);
	s18 =	sadd.s32 s3, s22  }
0x5e: {  	(v2sf) =	vpush v0, $0xF;
	[tilespmem:s15], [sflag:$0x1] =	stream.linear.gather [hbm4b:s21+s2], $0x80, $0x38;
	[tilespmem:$0x10200] =	vst v63  }
0x5f: {  	s20 =	sadd.s32 $0x800, s11;
	s22 =	sadd.s32 $0x880, s11;
	s26 =	sand.u32 $0x1FFFFFF0, s25  }
0x60: {  	[tilespmem:s19], [sflag:$0x1] =	stream.linear.gather [hbm4b:s18+s2], $0x80, $0x38;
	[tilespmem:$0x10200] =	vst v63  }
0x61: {  	s15 =	sadd.s32 s3, s24;
	s18 =	sadd.s32 s3, s26;
	s28 =	spop (v2sf)  }
0x62: {  	[tilespmem:s14], [sflag:$0x1] =	stream.linear.gather [hbm4b:s15+s2], $0x80, $0x38;
	[tilespmem:$0x10200] =	vst v63  }
0x63: {  	s26 =	simm.s32 $0x0;
	s29 =	sand.u32 $0x1FFFFFF0, s28;
	s30 =	spop (v2sf)  }
0x64: {  	[tilespmem:s16], [sflag:$0x1] =	stream.linear.gather [hbm4b:s18+s2], $0x80, $0x38;
	[tilespmem:$0x10200] =	vst v63  }
0x65: {  	s15 =	sand.u32 $0x1FFFFFF0, s30;
	s14 =	sadd.s32 s3, s29;
	s31 =	spop (v2sf)  }
0x66: {  	[tilespmem:s13], [sflag:$0x1] =	stream.linear.gather [hbm4b:s14+s2], $0x80, $0x38;
	[tilespmem:$0x10200] =	vst v63  }
0x67: {  	s15 =	sadd.s32 s3, s15;
	s16 =	sand.u32 $0x1FFFFFF0, s31;
	s18 =	spop (v2sf)  }
0x68: {  	[tilespmem:s17], [sflag:$0x1] =	stream.linear.gather [hbm4b:s15+s2], $0x80, $0x38;
	[tilespmem:$0x10200] =	vst v63  }
0x69: {  	s13 =	sadd.s32 s3, s16;
	s14 =	sand.u32 $0x1FFFFFF0, s18;
	s19 =	spop (v2sf)  }
0x6a: {  	[tilespmem:s12], [sflag:$0x1] =	stream.linear.gather [hbm4b:s13+s2], $0x80, $0x38;
	[tilespmem:$0x10200] =	vst v63  }
0x6b: {  	s21 =	sand.u32 $0x1FFFFFF0, s19;
	s14 =	sadd.s32 s3, s14;
	s23 =	spop (v2sf)  }
0x6c: {  	[tilespmem:s20], [sflag:$0x1] =	stream.linear.gather [hbm4b:s14+s2], $0x80, $0x38;
	[tilespmem:$0x10200] =	vst v63  }
0x6d: {  	v0 =	vmov s26;
	s13 =	sadd.s32 s3, s21;
	s24 =	sand.u32 $0x1FFFFFF0, s23;
	s25 =	spop (v2sf)  }
0x6e: {  	v0 =	vshll.u32 v0, $0x7;
	[tilespmem:s22], [sflag:$0x1] =	stream.linear.gather [hbm4b:s13+s2], $0x80, $0x38;
	[tilespmem:$0x10200] =	vst v63  }
0x6f: {  	s28 =	sadd.s32 $0x900, s11;
	v0 =	vor.u32 v1, v0;
	s12 =	sadd.s32 s3, s24;
	s13 =	sand.u32 $0x1FFFFFF0, s25  }
0x70: {  	v2 =	vor.u32 $0x1, v0;
	[tilespmem:s28], [sflag:$0x1] =	stream.linear.gather [hbm4b:s12+s2], $0x80, $0x38;
	[tilespmem:$0x10200] =	vst v63  }
0x71: {  	s29 =	sadd.s32 $0x980, s11;
	[tilespmem:$0x1FFB0] =	vst v2;
	s30 =	sadd.s32 s3, s13  }
0x72: {  	[tilespmem:s29], [sflag:$0x1] =	stream.linear.gather [hbm4b:s30+s2], $0x80, $0x38;
	[tilespmem:$0x10200] =	vst v63  }
0x73: {  	_ =	swait.ge [sflag:s8], $0x10000  }
0x74: {  	v3 =	vor.u32 $0x2, v0;
	[sflag:s8] =	ssyncset.done $0x0  }
0x75: {  	[sflag:s8] =	ssyncadd.s32 $0xFFFF0000  }
0x76: {  	v4 =	vor.u32 $0x3, v0;
	v11 =	vld.idx.msk [tilespmem:v0+s9+$0x0], $0xffff  }
0x77: {  	v12 =	vld.idx.msk [tilespmem:v2+s9+$0x0], $0xffff  }
0x78: {  	v5 =	vor.u32 $0x4, v0  }
0x79: {  	v13 =	vld.idx.msk [tilespmem:v3+s9+$0x0], $0xffff  }
0x7a: {  	v2 =	vor.u32 $0x5, v0  }
0x7b: {  	v14 =	vld.idx.msk [tilespmem:v4+s9+$0x0], $0xffff  }
0x7c: {  	v7 =	vor.u32 $0x6, v0;
	[tilespmem:$0x1FFD0] =	vst v4;
	v4 =	vmul.f32 v11, v11;
	v9 =	vmul.f32 v12, v12  }
0x7d: {  	v16 =	vld.idx.msk [tilespmem:v5+s9+$0x0], $0xffff  }
0x7e: {  	v8 =	vor.u32 $0x7, v0;
	v10 =	vmul.f32 v13, v13;
	v4 =	vadd.f32 v9, v4  }
0x7f: {  	v18 =	vld.idx.msk [tilespmem:v2+s9+$0x0], $0xffff  }
0x80: {  	v15 =	vmul.f32 v14, v14;
	v9 =	vor.u32 $0x8, v0;
	v4 =	vadd.f32 v10, v4  }
0x81: {  	v20 =	vld.idx.msk [tilespmem:v7+s9+$0x0], $0xffff  }
0x82: {  	v17 =	vmul.f32 v16, v16;
	v10 =	vor.u32 $0x9, v0;
	v4 =	vadd.f32 v15, v4  }
0x83: {  	v22 =	vld.idx.msk [tilespmem:v8+s9+$0x0], $0xffff  }
0x84: {  	v19 =	vmul.f32 v18, v18;
	v15 =	vor.u32 $0xA, v0;
	v4 =	vadd.f32 v17, v4  }
0x85: {  	v24 =	vld.idx.msk [tilespmem:v9+s9+$0x0], $0xffff  }
0x86: {  	v21 =	vmul.f32 v20, v20;
	v17 =	vor.u32 $0xB, v0;
	v4 =	vadd.f32 v19, v4  }
0x87: {  	v25 =	vld.idx.msk [tilespmem:v10+s9+$0x0], $0xffff  }
0x88: {  	v23 =	vmul.f32 v22, v22;
	v19 =	vor.u32 $0xC, v0;
	v4 =	vadd.f32 v21, v4  }
0x89: {  	v26 =	vld.idx.msk [tilespmem:v15+s9+$0x0], $0xffff  }
0x8a: {  	v21 =	vor.u32 $0xD, v0;
	v27 =	vmul.f32 v24, v24;
	v4 =	vadd.f32 v23, v4  }
0x8b: {  	v28 =	vld.idx.msk [tilespmem:v17+s9+$0x0], $0xffff  }
0x8c: {  	v23 =	vor.u32 $0xE, v0;
	v49 =	vmul.f32 v25, v25;
	v4 =	vadd.f32 v27, v4  }
0x8d: {  	v29 =	vld.idx.msk [tilespmem:v19+s9+$0x0], $0xffff  }
0x8e: {  	v30 =	vor.u32 $0xF, v0;
	v50 =	vmul.f32 v26, v26;
	v4 =	vadd.f32 v49, v4  }
0x8f: {  	v31 =	vld.idx.msk [tilespmem:v21+s9+$0x0], $0xffff  }
0x90: {  	v32 =	vor.u32 $0x10, v0;
	v51 =	vmul.f32 v28, v28;
	v4 =	vadd.f32 v50, v4  }
0x91: {  	v33 =	vld.idx.msk [tilespmem:v23+s9+$0x0], $0xffff  }
0x92: {  	v34 =	vor.u32 $0x11, v0;
	v52 =	vmul.f32 v29, v29;
	v4 =	vadd.f32 v51, v4  }
0x93: {  	v35 =	vld.idx.msk [tilespmem:v30+s9+$0x0], $0xffff  }
0x94: {  	v36 =	vor.u32 $0x12, v0;
	v53 =	vmul.f32 v31, v31;
	v4 =	vadd.f32 v52, v4  }
0x95: {  	v37 =	vld.idx.msk [tilespmem:v32+s9+$0x0], $0xffff  }
0x96: {  	v38 =	vor.u32 $0x13, v0;
	v54 =	vmul.f32 v33, v33;
	v4 =	vadd.f32 v53, v4  }
0x97: {  	v39 =	vld.idx.msk [tilespmem:v34+s9+$0x0], $0xffff  }
0x98: {  	v40 =	vor.u32 $0x14, v0;
	v55 =	vmul.f32 v35, v35;
	v4 =	vadd.f32 v54, v4  }
0x99: {  	v41 =	vld.idx.msk [tilespmem:v36+s9+$0x0], $0xffff  }
0x9a: {  	v42 =	vor.u32 $0x15, v0;
	v56 =	vmul.f32 v37, v37;
	v4 =	vadd.f32 v55, v4  }
0x9b: {  	v43 =	vld.idx.msk [tilespmem:v38+s9+$0x0], $0xffff  }
0x9c: {  	v44 =	vor.u32 $0x16, v0;
	v57 =	vmul.f32 v39, v39;
	v4 =	vadd.f32 v56, v4  }
0x9d: {  	v45 =	vld.idx.msk [tilespmem:v40+s9+$0x0], $0xffff  }
0x9e: {  	v46 =	vor.u32 $0x17, v0;
	v58 =	vmul.f32 v41, v41;
	v4 =	vadd.f32 v57, v4  }
0x9f: {  	v47 =	vld.idx.msk [tilespmem:v42+s9+$0x0], $0xffff  }
0xa0: {  	v48 =	vor.u32 $0x18, v0;
	v59 =	vmul.f32 v43, v43;
	v4 =	vadd.f32 v58, v4  }
0xa1: {  	v49 =	vld.idx.msk [tilespmem:v44+s9+$0x0], $0xffff  }
0xa2: {  	v60 =	vmul.f32 v45, v45;
	v50 =	vor.u32 $0x19, v0;
	v4 =	vadd.f32 v59, v4  }
0xa3: {  	v51 =	vld.idx.msk [tilespmem:v46+s9+$0x0], $0xffff  }
0xa4: {  	v61 =	vmul.f32 v47, v47;
	v52 =	vor.u32 $0x1A, v0;
	v4 =	vadd.f32 v60, v4  }
0xa5: {  	v53 =	vld.idx.msk [tilespmem:v48+s9+$0x0], $0xffff  }
0xa6: {  	v62 =	vmul.f32 v49, v49;
	v54 =	vor.u32 $0x1B, v0;
	v4 =	vadd.f32 v61, v4  }
0xa7: {  	v55 =	vld.idx.msk [tilespmem:v50+s9+$0x0], $0xffff  }
0xa8: {  	v63 =	vmul.f32 v51, v51;
	v56 =	vor.u32 $0x1C, v0;
	v4 =	vadd.f32 v62, v4  }
0xa9: {  	v57 =	vld.idx.msk [tilespmem:v52+s9+$0x0], $0xffff  }
0xaa: {  	v27 =	vmul.f32 v53, v53;
	v58 =	vor.u32 $0x1D, v0;
	v4 =	vadd.f32 v63, v4  }
0xab: {  	v59 =	vld.idx.msk [tilespmem:v54+s9+$0x0], $0xffff  }
0xac: {  	v60 =	vor.u32 $0x1E, v0;
	v61 =	vmul.f32 v55, v55;
	v27 =	vadd.f32 v27, v4  }
0xad: {  	v62 =	vld.idx.msk [tilespmem:v56+s9+$0x0], $0xffff  }
0xae: {  	v4 =	vor.u32 $0x1F, v0;
	v27 =	vadd.f32 v61, v27;
	v61 =	vmul.f32 v57, v57  }
0xaf: {  	v63 =	vld.idx.msk [tilespmem:v58+s9+$0x0], $0xffff  }
0xb0: {  	v27 =	vadd.f32 v61, v27;
	v61 =	vmul.f32 v59, v59  }
0xb1: {  	[tilespmem:$0x1FFC0] =	vst v3;
	v3 =	vmov v1;
	v1 =	vld.idx.msk [tilespmem:v60+s9+$0x0], $0xffff  }
0xb2: {  	v27 =	vadd.f32 v61, v27;
	v61 =	vmul.f32 v62, v62  }
0xb3: {  	v6 =	vld.idx.msk [tilespmem:v4+s9+$0x0], $0xffff  }
0xb4: {  	v27 =	vadd.f32 v61, v27;
	v61 =	vmul.f32 v63, v63;
	_ =	sdelay $0x1  }
0xb5: {  	v27 =	vadd.f32 v61, v27;
	v61 =	vmul.f32 v1, v1;
	_ =	sdelay $0x1  }
0xb6: {  	v27 =	vadd.f32 v61, v27;
	v61 =	vmul.f32 v6, v6;
	_ =	sdelay $0x1  }
0xb7: {  	v27 =	vadd.f32 v61, v27;
	_ =	sdelay $0x1  }
0xb8: {  	v61 =	vshra.s32 v27, $0x1;
	v27 =	vmul.f32 $-5.000000000e-01, v27  }
0xb9: {  	v61 =	vsub.s32 $0x5F3759DF, v61  }
0xba: {  	[tilespmem:$0x1FFE0] =	vst v2;
	v2 =	vmul.f32 v61, v27;
	_ =	sdelay $0x1  }
0xbb: {  	v2 =	vmul.f32 v61, v2;
	_ =	sdelay $0x1  }
0xbc: {  	v2 =	vadd.f32 $1.500000000e+00, v2;
	_ =	sdelay $0x1  }
0xbd: {  	v2 =	vmul.f32 v61, v2;
	_ =	sdelay $0x1  }
0xbe: {  	v61 =	vmul.f32 v2, v27;
	_ =	sdelay $0x1  }
0xbf: {  	v61 =	vmul.f32 v61, v2;
	_ =	sdelay $0x1  }
0xc0: {  	v61 =	vadd.f32 $1.500000000e+00, v61;
	_ =	sdelay $0x1  }
0xc1: {  	v2 =	vmul.f32 v61, v2;
	_ =	sdelay $0x1  }
0xc2: {  	v27 =	vmul.f32 v2, v27;
	_ =	sdelay $0x1  }
0xc3: {  	v27 =	vmul.f32 v27, v2;
	_ =	sdelay $0x1  }
0xc4: {  	v27 =	vadd.f32 $1.500000000e+00, v27;
	_ =	sdelay $0x1  }
0xc5: {  	v27 =	vmul.f32 v27, v2;
	_ =	sdelay $0x1  }
0xc6: {  	v2 =	vmul.f32 v27, v11;
	_ =	sdelay $0x1  }
0xc7: {  	[tilespmem:v0+s9+$0x0] =	vst.idx.msk $0xffff, v2;
	v2 =	vld [tilespmem:$0x1FFB0];
	_ =	sdelay $0x5  }
0xc8: {  	v12 =	vmul.f32 v27, v12;
	_ =	sdelay $0x1  }
0xc9: {  	[tilespmem:v2+s9+$0x0] =	vst.idx.msk $0xffff, v12;
	v2 =	vmul.f32 v27, v14;
	v14 =	vld [tilespmem:$0x1FFC0]  }
0xca: {  	v61 =	vld [tilespmem:$0x1FFD0];
	_ =	sdelay $0x4  }
0xcb: {  	v0 =	vmul.f32 v27, v13;
	_ =	sdelay $0x1  }
0xcc: {  	[tilespmem:v14+s9+$0x0] =	vst.idx.msk $0xffff, v0;
	v0 =	vmul.f32 v27, v16  }
0xcd: {  	[tilespmem:v61+s9+$0x0] =	vst.idx.msk $0xffff, v2  }
0xce: {  	[tilespmem:v5+s9+$0x0] =	vst.idx.msk $0xffff, v0;
	v5 =	vld [tilespmem:$0x1FFE0];
	_ =	sdelay $0x5  }
0xcf: {  	v2 =	vmul.f32 v27, v18  }
0xd0: {  	v0 =	vmul.f32 v27, v20  }
0xd1: {  	[tilespmem:v5+s9+$0x0] =	vst.idx.msk $0xffff, v2;
	v2 =	vmul.f32 v27, v22  }
0xd2: {  	[tilespmem:v7+s9+$0x0] =	vst.idx.msk $0xffff, v0;
	v0 =	vmul.f32 v27, v24  }
0xd3: {  	[tilespmem:v8+s9+$0x0] =	vst.idx.msk $0xffff, v2;
	v2 =	vmul.f32 v27, v25  }
0xd4: {  	[tilespmem:v9+s9+$0x0] =	vst.idx.msk $0xffff, v0;
	v0 =	vmul.f32 v27, v26  }
0xd5: {  	[tilespmem:v10+s9+$0x0] =	vst.idx.msk $0xffff, v2;
	v2 =	vmul.f32 v27, v28  }
0xd6: {  	[tilespmem:v15+s9+$0x0] =	vst.idx.msk $0xffff, v0;
	v0 =	vmul.f32 v27, v29  }
0xd7: {  	[tilespmem:v17+s9+$0x0] =	vst.idx.msk $0xffff, v2;
	v2 =	vmul.f32 v27, v31  }
0xd8: {  	[tilespmem:v19+s9+$0x0] =	vst.idx.msk $0xffff, v0;
	v0 =	vmul.f32 v27, v33  }
0xd9: {  	[tilespmem:v21+s9+$0x0] =	vst.idx.msk $0xffff, v2;
	v2 =	vmul.f32 v27, v35  }
0xda: {  	[tilespmem:v23+s9+$0x0] =	vst.idx.msk $0xffff, v0;
	v0 =	vmul.f32 v27, v37  }
0xdb: {  	[tilespmem:v30+s9+$0x0] =	vst.idx.msk $0xffff, v2;
	v2 =	vmul.f32 v27, v39  }
0xdc: {  	[tilespmem:v32+s9+$0x0] =	vst.idx.msk $0xffff, v0;
	v0 =	vmul.f32 v27, v41  }
0xdd: {  	[tilespmem:v34+s9+$0x0] =	vst.idx.msk $0xffff, v2;
	v2 =	vmul.f32 v27, v43  }
0xde: {  	[tilespmem:v36+s9+$0x0] =	vst.idx.msk $0xffff, v0;
	v0 =	vmul.f32 v27, v45  }
0xdf: {  	[tilespmem:v38+s9+$0x0] =	vst.idx.msk $0xffff, v2;
	v2 =	vmul.f32 v27, v47  }
0xe0: {  	[tilespmem:v40+s9+$0x0] =	vst.idx.msk $0xffff, v0;
	v0 =	vmul.f32 v27, v49  }
0xe1: {  	[tilespmem:v42+s9+$0x0] =	vst.idx.msk $0xffff, v2;
	v2 =	vmul.f32 v27, v51  }
0xe2: {  	[tilespmem:v44+s9+$0x0] =	vst.idx.msk $0xffff, v0;
	v0 =	vmul.f32 v27, v53  }
0xe3: {  	[tilespmem:v46+s9+$0x0] =	vst.idx.msk $0xffff, v2;
	v2 =	vmul.f32 v27, v55  }
0xe4: {  	[tilespmem:v48+s9+$0x0] =	vst.idx.msk $0xffff, v0;
	v0 =	vmul.f32 v27, v57  }
0xe5: {  	[tilespmem:v50+s9+$0x0] =	vst.idx.msk $0xffff, v2;
	v2 =	vmul.f32 v27, v59  }
0xe6: {  	s31 =	simm.s32 $0x10;
	[tilespmem:v52+s9+$0x0] =	vst.idx.msk $0xffff, v0;
	v0 =	vmul.f32 v27, v62  }
0xe7: {  	v5 =	vmul.f32 v27, v63;
	[tilespmem:v54+s9+$0x0] =	vst.idx.msk $0xffff, v2;
	v2 =	vmov s31  }
0xe8: {  	[tilespmem:v56+s9+$0x0] =	vst.idx.msk $0xffff, v0;
	v0 =	vshll.u32 v2, $0x7;
	v2 =	vmul.f32 v27, v1  }
0xe9: {  	[tilespmem:v58+s9+$0x0] =	vst.idx.msk $0xffff, v5;
	v1 =	vor.u32 v3, v0  }
0xea: {  	s11 =	simm.s32 $0x20;
	v0 =	vmul.f32 v27, v6;
	[tilespmem:v60+s9+$0x0] =	vst.idx.msk $0xffff, v2;
	v7 =	vor.u32 $0x1, v1;
	v3 =	vor.u32 $0x2, v1  }
.LBB2_4:
0xeb: {  	_ =	sdelay $0x1  }
0xec: {  	[tilespmem:v4+s9+$0x0] =	vst.idx.msk $0xffff, v0  }
0xed: {  	v0 =	vor.u32 $0x3, v1;
	v11 =	vld.idx.msk [tilespmem:v1+s9+$0x0], $0xffff  }
0xee: {  	v13 =	vld.idx.msk [tilespmem:v7+s9+$0x0], $0xffff  }
0xef: {  	v2 =	vor.u32 $0x4, v1  }
0xf0: {  	v16 =	vld.idx.msk [tilespmem:v3+s9+$0x0], $0xffff  }
0xf1: {  	v5 =	vor.u32 $0x5, v1  }
0xf2: {  	v14 =	vld.idx.msk [tilespmem:v0+s9+$0x0], $0xffff  }
0xf3: {  	v8 =	vor.u32 $0x6, v1;
	[tilespmem:$0x1FF80] =	vst v0;
	v0 =	vmul.f32 v11, v11;
	v4 =	vmul.f32 v13, v13  }
0xf4: {  	v17 =	vld.idx.msk [tilespmem:v2+s9+$0x0], $0xffff  }
0xf5: {  	v9 =	vor.u32 $0x7, v1;
	v0 =	vadd.f32 v4, v0;
	v4 =	vmul.f32 v16, v16  }
0xf6: {  	v19 =	vld.idx.msk [tilespmem:v5+s9+$0x0], $0xffff  }
0xf7: {  	v10 =	vor.u32 $0x8, v1;
	v0 =	vadd.f32 v4, v0;
	v4 =	vmul.f32 v14, v14  }
0xf8: {  	v21 =	vld.idx.msk [tilespmem:v8+s9+$0x0], $0xffff  }
0xf9: {  	v12 =	vor.u32 $0x9, v1;
	v0 =	vadd.f32 v4, v0;
	v4 =	vmul.f32 v17, v17  }
0xfa: {  	v23 =	vld.idx.msk [tilespmem:v9+s9+$0x0], $0xffff  }
0xfb: {  	v15 =	vor.u32 $0xA, v1;
	v0 =	vadd.f32 v4, v0;
	v4 =	vmul.f32 v19, v19  }
0xfc: {  	v25 =	vld.idx.msk [tilespmem:v10+s9+$0x0], $0xffff  }
0xfd: {  	v18 =	vor.u32 $0xB, v1;
	v0 =	vadd.f32 v4, v0;
	v4 =	vmul.f32 v21, v21  }
0xfe: {  	v27 =	vld.idx.msk [tilespmem:v12+s9+$0x0], $0xffff  }
0xff: {  	v20 =	vor.u32 $0xC, v1;
	v0 =	vadd.f32 v4, v0;
	v4 =	vmul.f32 v23, v23  }
0x100: {  	v29 =	vld.idx.msk [tilespmem:v15+s9+$0x0], $0xffff  }
0x101: {  	v22 =	vor.u32 $0xD, v1;
	v0 =	vadd.f32 v4, v0;
	v4 =	vmul.f32 v25, v25  }
0x102: {  	v31 =	vld.idx.msk [tilespmem:v18+s9+$0x0], $0xffff  }
0x103: {  	v24 =	vor.u32 $0xE, v1;
	v0 =	vadd.f32 v4, v0;
	v4 =	vmul.f32 v27, v27  }
0x104: {  	v33 =	vld.idx.msk [tilespmem:v20+s9+$0x0], $0xffff  }
0x105: {  	v26 =	vor.u32 $0xF, v1;
	v0 =	vadd.f32 v4, v0;
	v4 =	vmul.f32 v29, v29  }
0x106: {  	v35 =	vld.idx.msk [tilespmem:v22+s9+$0x0], $0xffff  }
0x107: {  	v28 =	vor.u32 $0x10, v1;
	v0 =	vadd.f32 v4, v0;
	v4 =	vmul.f32 v31, v31  }
0x108: {  	v37 =	vld.idx.msk [tilespmem:v24+s9+$0x0], $0xffff  }
0x109: {  	v30 =	vor.u32 $0x11, v1;
	v0 =	vadd.f32 v4, v0;
	v4 =	vmul.f32 v33, v33  }
0x10a: {  	v39 =	vld.idx.msk [tilespmem:v26+s9+$0x0], $0xffff  }
0x10b: {  	v32 =	vor.u32 $0x12, v1;
	v0 =	vadd.f32 v4, v0;
	v4 =	vmul.f32 v35, v35  }
0x10c: {  	v41 =	vld.idx.msk [tilespmem:v28+s9+$0x0], $0xffff  }
0x10d: {  	v34 =	vor.u32 $0x13, v1;
	v0 =	vadd.f32 v4, v0;
	v4 =	vmul.f32 v37, v37  }
0x10e: {  	v43 =	vld.idx.msk [tilespmem:v30+s9+$0x0], $0xffff  }
0x10f: {  	v36 =	vor.u32 $0x14, v1;
	v0 =	vadd.f32 v4, v0;
	v4 =	vmul.f32 v39, v39  }
0x110: {  	v46 =	vld.idx.msk [tilespmem:v32+s9+$0x0], $0xffff  }
0x111: {  	v38 =	vor.u32 $0x15, v1;
	v0 =	vadd.f32 v4, v0;
	v4 =	vmul.f32 v41, v41  }
0x112: {  	v48 =	vld.idx.msk [tilespmem:v34+s9+$0x0], $0xffff  }
0x113: {  	v40 =	vor.u32 $0x16, v1;
	v0 =	vadd.f32 v4, v0;
	v4 =	vmul.f32 v43, v43  }
0x114: {  	v51 =	vld.idx.msk [tilespmem:v36+s9+$0x0], $0xffff  }
0x115: {  	v42 =	vor.u32 $0x17, v1;
	v0 =	vadd.f32 v4, v0;
	v4 =	vmul.f32 v46, v46  }
0x116: {  	v53 =	vld.idx.msk [tilespmem:v38+s9+$0x0], $0xffff  }
0x117: {  	v44 =	vor.u32 $0x18, v1;
	v0 =	vadd.f32 v4, v0;
	v4 =	vmul.f32 v48, v48  }
0x118: {  	v55 =	vld.idx.msk [tilespmem:v40+s9+$0x0], $0xffff  }
0x119: {  	v45 =	vor.u32 $0x19, v1;
	v0 =	vadd.f32 v4, v0;
	v4 =	vmul.f32 v51, v51  }
0x11a: {  	v56 =	vld.idx.msk [tilespmem:v42+s9+$0x0], $0xffff  }
0x11b: {  	v47 =	vor.u32 $0x1A, v1;
	v0 =	vadd.f32 v4, v0;
	v4 =	vmul.f32 v53, v53  }
0x11c: {  	v57 =	vld.idx.msk [tilespmem:v44+s9+$0x0], $0xffff  }
0x11d: {  	v49 =	vor.u32 $0x1B, v1;
	v0 =	vadd.f32 v4, v0;
	v4 =	vmul.f32 v55, v55  }
0x11e: {  	v58 =	vld.idx.msk [tilespmem:v45+s9+$0x0], $0xffff  }
0x11f: {  	v50 =	vor.u32 $0x1C, v1;
	v0 =	vadd.f32 v4, v0;
	v4 =	vmul.f32 v56, v56  }
0x120: {  	v59 =	vld.idx.msk [tilespmem:v47+s9+$0x0], $0xffff  }
0x121: {  	v52 =	vor.u32 $0x1D, v1;
	v0 =	vadd.f32 v4, v0;
	v4 =	vmul.f32 v57, v57  }
0x122: {  	v60 =	vld.idx.msk [tilespmem:v49+s9+$0x0], $0xffff  }
0x123: {  	v54 =	vor.u32 $0x1E, v1;
	v62 =	vmul.f32 v58, v58;
	v0 =	vadd.f32 v4, v0  }
0x124: {  	v61 =	vld.idx.msk [tilespmem:v50+s9+$0x0], $0xffff  }
0x125: {  	v63 =	vmul.f32 v59, v59;
	v4 =	vor.u32 $0x1F, v1;
	v0 =	vadd.f32 v62, v0  }
0x126: {  	v62 =	vld.idx.msk [tilespmem:v52+s9+$0x0], $0xffff  }
0x127: {  	[tilespmem:$0x1FF90] =	vst v2;
	v2 =	vmul.f32 v60, v60;
	v0 =	vadd.f32 v63, v0  }
0x128: {  	v63 =	vld.idx.msk [tilespmem:v54+s9+$0x0], $0xffff  }
0x129: {  	[tilespmem:$0x1FFA0] =	vst v5;
	v5 =	vmul.f32 v61, v61;
	v2 =	vadd.f32 v2, v0  }
0x12a: {  	v0 =	vld.idx.msk [tilespmem:v4+s9+$0x0], $0xffff  }
0x12b: {  	v2 =	vadd.f32 v5, v2;
	v5 =	vmul.f32 v62, v62;
	_ =	sdelay $0x1  }
0x12c: {  	v2 =	vadd.f32 v5, v2;
	v5 =	vmul.f32 v63, v63;
	_ =	sdelay $0x1  }
0x12d: {  	v2 =	vadd.f32 v5, v2;
	v5 =	vmul.f32 v0, v0;
	_ =	sdelay $0x1  }
0x12e: {  	v2 =	vadd.f32 v5, v2;
	_ =	sdelay $0x1  }
0x12f: {  	v5 =	vshra.s32 v2, $0x1;
	v2 =	vmul.f32 $-5.000000000e-01, v2  }
0x130: {  	v5 =	vsub.s32 $0x5F3759DF, v5  }
0x131: {  	v6 =	vmul.f32 v5, v2;
	_ =	sdelay $0x1  }
0x132: {  	v6 =	vmul.f32 v5, v6;
	_ =	sdelay $0x1  }
0x133: {  	v6 =	vadd.f32 $1.500000000e+00, v6;
	_ =	sdelay $0x1  }
0x134: {  	v5 =	vmul.f32 v5, v6;
	_ =	sdelay $0x1  }
0x135: {  	v6 =	vmul.f32 v5, v2;
	_ =	sdelay $0x1  }
0x136: {  	v6 =	vmul.f32 v6, v5;
	_ =	sdelay $0x1  }
0x137: {  	v6 =	vadd.f32 $1.500000000e+00, v6;
	_ =	sdelay $0x1  }
0x138: {  	v5 =	vmul.f32 v6, v5;
	_ =	sdelay $0x1  }
0x139: {  	v2 =	vmul.f32 v5, v2;
	_ =	sdelay $0x1  }
0x13a: {  	v2 =	vmul.f32 v2, v5;
	_ =	sdelay $0x1  }
0x13b: {  	v2 =	vadd.f32 $1.500000000e+00, v2;
	_ =	sdelay $0x1  }
0x13c: {  	v2 =	vmul.f32 v2, v5;
	_ =	sdelay $0x1  }
0x13d: {  	v5 =	vmul.f32 v2, v11;
	_ =	sdelay $0x1  }
0x13e: {  	[tilespmem:v1+s9+$0x0] =	vst.idx.msk $0xffff, v5;
	v5 =	vld [tilespmem:$0x1FF80];
	_ =	sdelay $0x3  }
0x13f: {  	v6 =	vmul.f32 v2, v13  }
0x140: {  	v16 =	vmul.f32 v2, v16  }
0x141: {  	v1 =	vmul.f32 v2, v14;
	[tilespmem:v7+s9+$0x0] =	vst.idx.msk $0xffff, v6  }
0x142: {  	[tilespmem:v3+s9+$0x0] =	vst.idx.msk $0xffff, v16  }
0x143: {  	[tilespmem:v5+s9+$0x0] =	vst.idx.msk $0xffff, v1;
	v5 =	vld [tilespmem:$0x1FF90];
	_ =	sdelay $0x5  }
0x144: {  	v3 =	vmul.f32 v2, v17;
	_ =	sdelay $0x1  }
0x145: {  	[tilespmem:v5+s9+$0x0] =	vst.idx.msk $0xffff, v3;
	v5 =	vld [tilespmem:$0x1FFA0];
	_ =	sdelay $0x5  }
0x146: {  	v1 =	vmul.f32 v2, v19  }
0x147: {  	v3 =	vmul.f32 v2, v21  }
0x148: {  	[tilespmem:v5+s9+$0x0] =	vst.idx.msk $0xffff, v1;
	v1 =	vmul.f32 v2, v23  }
0x149: {  	[tilespmem:v8+s9+$0x0] =	vst.idx.msk $0xffff, v3;
	v3 =	vmul.f32 v2, v25  }
0x14a: {  	[tilespmem:v9+s9+$0x0] =	vst.idx.msk $0xffff, v1;
	v1 =	vmul.f32 v2, v27  }
0x14b: {  	[tilespmem:v10+s9+$0x0] =	vst.idx.msk $0xffff, v3;
	v3 =	vmul.f32 v2, v29  }
0x14c: {  	[tilespmem:v12+s9+$0x0] =	vst.idx.msk $0xffff, v1;
	v1 =	vmul.f32 v2, v31  }
0x14d: {  	[tilespmem:v15+s9+$0x0] =	vst.idx.msk $0xffff, v3;
	v3 =	vmul.f32 v2, v33  }
0x14e: {  	[tilespmem:v18+s9+$0x0] =	vst.idx.msk $0xffff, v1;
	v1 =	vmul.f32 v2, v35  }
0x14f: {  	[tilespmem:v20+s9+$0x0] =	vst.idx.msk $0xffff, v3;
	v3 =	vmul.f32 v2, v37  }
0x150: {  	[tilespmem:v22+s9+$0x0] =	vst.idx.msk $0xffff, v1;
	v1 =	vmul.f32 v2, v39  }
0x151: {  	[tilespmem:v24+s9+$0x0] =	vst.idx.msk $0xffff, v3;
	v3 =	vmul.f32 v2, v41  }
0x152: {  	[tilespmem:v26+s9+$0x0] =	vst.idx.msk $0xffff, v1;
	v1 =	vmul.f32 v2, v43  }
0x153: {  	[tilespmem:v28+s9+$0x0] =	vst.idx.msk $0xffff, v3;
	v3 =	vmul.f32 v2, v46  }
0x154: {  	[tilespmem:v30+s9+$0x0] =	vst.idx.msk $0xffff, v1;
	v1 =	vmul.f32 v2, v48  }
0x155: {  	[tilespmem:v32+s9+$0x0] =	vst.idx.msk $0xffff, v3;
	v3 =	vmul.f32 v2, v51  }
0x156: {  	[tilespmem:v34+s9+$0x0] =	vst.idx.msk $0xffff, v1;
	v1 =	vmul.f32 v2, v53  }
0x157: {  	[tilespmem:v36+s9+$0x0] =	vst.idx.msk $0xffff, v3;
	v3 =	vmul.f32 v2, v55  }
0x158: {  	[tilespmem:v38+s9+$0x0] =	vst.idx.msk $0xffff, v1;
	v1 =	vmul.f32 v2, v56  }
0x159: {  	[tilespmem:v40+s9+$0x0] =	vst.idx.msk $0xffff, v3;
	v3 =	vmul.f32 v2, v57  }
0x15a: {  	s12 =	smov.u32 s11;
	[tilespmem:v42+s9+$0x0] =	vst.idx.msk $0xffff, v1;
	v1 =	vmul.f32 v2, v58  }
0x15b: {  	v5 =	vmov s12;
	[tilespmem:v44+s9+$0x0] =	vst.idx.msk $0xffff, v3  }
0x15c: {  	[tilespmem:v45+s9+$0x0] =	vst.idx.msk $0xffff, v1;
	v1 =	vshll.u32 v5, $0x7;
	v5 =	vld [tilespmem:$0x1FFF0];
	_ =	sdelay $0x1  }
0x15d: {  	v3 =	vmul.f32 v2, v59  }
0x15e: {  	p0 =	sne.s32 s11, $0x1F0;
	v6 =	vmul.f32 v2, v60  }
.Ltmp1:
0x15f: {  	[tilespmem:v47+s9+$0x0] =	vst.idx.msk $0xffff, v3;
	v3 =	vmul.f32 v2, v61;
	(pc) =	sbr.rel @p0 .LBB2_4-.Ltmp1, $4  }
0x160: {  	[tilespmem:v49+s9+$0x0] =	vst.idx.msk $0xffff, v6;
	v1 =	vor.u32 v5, v1;
	v5 =	vmul.f32 v2, v62  }
0x161: {  	v6 =	vmul.f32 v2, v63;
	[tilespmem:v50+s9+$0x0] =	vst.idx.msk $0xffff, v3  }
0x162: {  	[tilespmem:v52+s9+$0x0] =	vst.idx.msk $0xffff, v5  }
0x163: {  	s11 =	sadd.s32 $0x10, s11;
	v0 =	vmul.f32 v2, v0;
	v7 =	vor.u32 $0x1, v1;
	v3 =	vor.u32 $0x2, v1;
	[tilespmem:v54+s9+$0x0] =	vst.idx.msk $0xffff, v6  }
0x164: {  	_ =	sdelay $0x3  }
0x165: {  	[tilespmem:v4+s9+$0x0] =	vst.idx.msk $0xffff, v0  }
0x166: {  	v0 =	vor.u32 $0x3, v1;
	v10 =	vld.idx.msk [tilespmem:v1+s9+$0x0], $0xffff  }
0x167: {  	v11 =	vld.idx.msk [tilespmem:v7+s9+$0x0], $0xffff  }
0x168: {  	v2 =	vor.u32 $0x4, v1  }
0x169: {  	v12 =	vld.idx.msk [tilespmem:v3+s9+$0x0], $0xffff  }
0x16a: {  	v48 =	vor.u32 $0x5, v1  }
0x16b: {  	v13 =	vld.idx.msk [tilespmem:v0+s9+$0x0], $0xffff  }
0x16c: {  	v5 =	vor.u32 $0x6, v1;
	v8 =	vmul.f32 v10, v10;
	v9 =	vmul.f32 v11, v11  }
0x16d: {  	v15 =	vld.idx.msk [tilespmem:v2+s9+$0x0], $0xffff  }
0x16e: {  	v6 =	vor.u32 $0x7, v1;
	v14 =	vmul.f32 v12, v12;
	v9 =	vadd.f32 v9, v8  }
0x16f: {  	v17 =	vld.idx.msk [tilespmem:v48+s9+$0x0], $0xffff  }
0x170: {  	v8 =	vor.u32 $0x8, v1;
	v14 =	vadd.f32 v14, v9;
	v16 =	vmul.f32 v13, v13  }
0x171: {  	v19 =	vld.idx.msk [tilespmem:v5+s9+$0x0], $0xffff  }
0x172: {  	v18 =	vmul.f32 v15, v15;
	v9 =	vor.u32 $0x9, v1;
	v16 =	vadd.f32 v16, v14  }
0x173: {  	v21 =	vld.idx.msk [tilespmem:v6+s9+$0x0], $0xffff  }
0x174: {  	v20 =	vmul.f32 v17, v17;
	v14 =	vor.u32 $0xA, v1;
	v18 =	vadd.f32 v18, v16  }
0x175: {  	v23 =	vld.idx.msk [tilespmem:v8+s9+$0x0], $0xffff  }
0x176: {  	v22 =	vmul.f32 v19, v19;
	v16 =	vor.u32 $0xB, v1;
	v20 =	vadd.f32 v20, v18  }
0x177: {  	v24 =	vld.idx.msk [tilespmem:v9+s9+$0x0], $0xffff  }
0x178: {  	v25 =	vmul.f32 v21, v21;
	v18 =	vor.u32 $0xC, v1;
	v22 =	vadd.f32 v22, v20  }
0x179: {  	v26 =	vld.idx.msk [tilespmem:v14+s9+$0x0], $0xffff  }
0x17a: {  	v20 =	vor.u32 $0xD, v1;
	v27 =	vmul.f32 v23, v23;
	v25 =	vadd.f32 v25, v22  }
0x17b: {  	v28 =	vld.idx.msk [tilespmem:v16+s9+$0x0], $0xffff  }
0x17c: {  	v22 =	vor.u32 $0xE, v1;
	v49 =	vmul.f32 v24, v24;
	v25 =	vadd.f32 v27, v25  }
0x17d: {  	v29 =	vld.idx.msk [tilespmem:v18+s9+$0x0], $0xffff  }
0x17e: {  	v30 =	vor.u32 $0xF, v1;
	v50 =	vmul.f32 v26, v26;
	v25 =	vadd.f32 v49, v25  }
0x17f: {  	v31 =	vld.idx.msk [tilespmem:v20+s9+$0x0], $0xffff  }
0x180: {  	v32 =	vor.u32 $0x10, v1;
	v51 =	vmul.f32 v28, v28;
	v25 =	vadd.f32 v50, v25  }
0x181: {  	v33 =	vld.idx.msk [tilespmem:v22+s9+$0x0], $0xffff  }
0x182: {  	v34 =	vor.u32 $0x11, v1;
	v52 =	vmul.f32 v29, v29;
	v25 =	vadd.f32 v51, v25  }
0x183: {  	v35 =	vld.idx.msk [tilespmem:v30+s9+$0x0], $0xffff  }
0x184: {  	v36 =	vor.u32 $0x12, v1;
	v53 =	vmul.f32 v31, v31;
	v25 =	vadd.f32 v52, v25  }
0x185: {  	v37 =	vld.idx.msk [tilespmem:v32+s9+$0x0], $0xffff  }
0x186: {  	v38 =	vor.u32 $0x13, v1;
	v54 =	vmul.f32 v33, v33;
	v25 =	vadd.f32 v53, v25  }
0x187: {  	v39 =	vld.idx.msk [tilespmem:v34+s9+$0x0], $0xffff  }
0x188: {  	v40 =	vor.u32 $0x14, v1;
	v55 =	vmul.f32 v35, v35;
	v25 =	vadd.f32 v54, v25  }
0x189: {  	v41 =	vld.idx.msk [tilespmem:v36+s9+$0x0], $0xffff  }
0x18a: {  	v42 =	vor.u32 $0x15, v1;
	v56 =	vmul.f32 v37, v37;
	v25 =	vadd.f32 v55, v25  }
0x18b: {  	v43 =	vld.idx.msk [tilespmem:v38+s9+$0x0], $0xffff  }
0x18c: {  	v44 =	vor.u32 $0x16, v1;
	v57 =	vmul.f32 v39, v39;
	v25 =	vadd.f32 v56, v25  }
0x18d: {  	v45 =	vld.idx.msk [tilespmem:v40+s9+$0x0], $0xffff  }
0x18e: {  	v46 =	vor.u32 $0x17, v1;
	v58 =	vmul.f32 v41, v41;
	v25 =	vadd.f32 v57, v25  }
0x18f: {  	v47 =	vld.idx.msk [tilespmem:v42+s9+$0x0], $0xffff  }
0x190: {  	[tilespmem:$0x1FF70] =	vst v48;
	v48 =	vor.u32 $0x18, v1;
	v59 =	vmul.f32 v43, v43;
	v25 =	vadd.f32 v58, v25  }
0x191: {  	v49 =	vld.idx.msk [tilespmem:v44+s9+$0x0], $0xffff  }
0x192: {  	v60 =	vmul.f32 v45, v45;
	v50 =	vor.u32 $0x19, v1;
	v25 =	vadd.f32 v59, v25  }
0x193: {  	v51 =	vld.idx.msk [tilespmem:v46+s9+$0x0], $0xffff  }
0x194: {  	v61 =	vmul.f32 v47, v47;
	v52 =	vor.u32 $0x1A, v1;
	v25 =	vadd.f32 v60, v25  }
0x195: {  	v53 =	vld.idx.msk [tilespmem:v48+s9+$0x0], $0xffff  }
0x196: {  	v62 =	vmul.f32 v49, v49;
	v54 =	vor.u32 $0x1B, v1;
	v25 =	vadd.f32 v61, v25  }
0x197: {  	v55 =	vld.idx.msk [tilespmem:v50+s9+$0x0], $0xffff  }
0x198: {  	v63 =	vmul.f32 v51, v51;
	v56 =	vor.u32 $0x1C, v1;
	v25 =	vadd.f32 v62, v25  }
0x199: {  	v57 =	vld.idx.msk [tilespmem:v52+s9+$0x0], $0xffff  }
0x19a: {  	v4 =	vmul.f32 v53, v53;
	v58 =	vor.u32 $0x1D, v1;
	v25 =	vadd.f32 v63, v25  }
0x19b: {  	v59 =	vld.idx.msk [tilespmem:v54+s9+$0x0], $0xffff  }
0x19c: {  	v60 =	vor.u32 $0x1E, v1;
	v25 =	vadd.f32 v4, v25;
	v4 =	vmul.f32 v55, v55  }
0x19d: {  	v61 =	vld.idx.msk [tilespmem:v56+s9+$0x0], $0xffff  }
0x19e: {  	v62 =	vor.u32 $0x1F, v1;
	v25 =	vadd.f32 v4, v25;
	v4 =	vmul.f32 v57, v57  }
0x19f: {  	v63 =	vld.idx.msk [tilespmem:v58+s9+$0x0], $0xffff  }
0x1a0: {  	v25 =	vadd.f32 v4, v25;
	v4 =	vmul.f32 v59, v59  }
0x1a1: {  	[tilespmem:$0x1FF60] =	vst v2;
	v2 =	vld.idx.msk [tilespmem:v60+s9+$0x0], $0xffff  }
0x1a2: {  	v25 =	vadd.f32 v4, v25;
	v4 =	vmul.f32 v61, v61  }
0x1a3: {  	[tilespmem:$0x1FF50] =	vst v0;
	v0 =	vld.idx.msk [tilespmem:v62+s9+$0x0], $0xffff  }
0x1a4: {  	v25 =	vadd.f32 v4, v25;
	v4 =	vmul.f32 v63, v63;
	_ =	sdelay $0x1  }
0x1a5: {  	v25 =	vadd.f32 v4, v25;
	v4 =	vmul.f32 v2, v2;
	_ =	sdelay $0x1  }
0x1a6: {  	v25 =	vadd.f32 v4, v25;
	v4 =	vmul.f32 v0, v0;
	_ =	sdelay $0x1  }
0x1a7: {  	v25 =	vadd.f32 v4, v25;
	_ =	sdelay $0x1  }
0x1a8: {  	v27 =	vshra.s32 v25, $0x1;
	v25 =	vmul.f32 $-5.000000000e-01, v25  }
0x1a9: {  	v27 =	vsub.s32 $0x5F3759DF, v27  }
0x1aa: {  	v4 =	vmul.f32 v27, v25;
	_ =	sdelay $0x1  }
0x1ab: {  	v4 =	vmul.f32 v27, v4;
	_ =	sdelay $0x1  }
0x1ac: {  	v4 =	vadd.f32 $1.500000000e+00, v4;
	_ =	sdelay $0x1  }
0x1ad: {  	v4 =	vmul.f32 v27, v4;
	_ =	sdelay $0x1  }
0x1ae: {  	v27 =	vmul.f32 v4, v25;
	_ =	sdelay $0x1  }
0x1af: {  	v27 =	vmul.f32 v27, v4;
	_ =	sdelay $0x1  }
0x1b0: {  	v27 =	vadd.f32 $1.500000000e+00, v27;
	_ =	sdelay $0x1  }
0x1b1: {  	v4 =	vmul.f32 v27, v4;
	_ =	sdelay $0x1  }
0x1b2: {  	v25 =	vmul.f32 v4, v25;
	_ =	sdelay $0x1  }
0x1b3: {  	v25 =	vmul.f32 v25, v4;
	_ =	sdelay $0x1  }
0x1b4: {  	v25 =	vadd.f32 $1.500000000e+00, v25;
	_ =	sdelay $0x1  }
0x1b5: {  	v4 =	vmul.f32 v25, v4;
	_ =	sdelay $0x1  }
0x1b6: {  	v10 =	vmul.f32 v4, v10  }
0x1b7: {  	v11 =	vmul.f32 v4, v11  }
0x1b8: {  	[tilespmem:v1+s9+$0x0] =	vst.idx.msk $0xffff, v10;
	v1 =	vmul.f32 v4, v12  }
0x1b9: {  	[tilespmem:v7+s9+$0x0] =	vst.idx.msk $0xffff, v11  }
0x1ba: {  	[tilespmem:v3+s9+$0x0] =	vst.idx.msk $0xffff, v1;
	v3 =	vld [tilespmem:$0x1FF50]  }
0x1bb: {  	v25 =	vld [tilespmem:$0x1FF60]  }
0x1bc: {  	v27 =	vld [tilespmem:$0x1FF70];
	_ =	sdelay $0x3  }
0x1bd: {  	v13 =	vmul.f32 v4, v13  }
0x1be: {  	v1 =	vmul.f32 v4, v15  }
0x1bf: {  	[tilespmem:v3+s9+$0x0] =	vst.idx.msk $0xffff, v13;
	v3 =	vmul.f32 v4, v17  }
0x1c0: {  	[tilespmem:v25+s9+$0x0] =	vst.idx.msk $0xffff, v1;
	v1 =	vmul.f32 v4, v19  }
0x1c1: {  	[tilespmem:v27+s9+$0x0] =	vst.idx.msk $0xffff, v3;
	v3 =	vmul.f32 v4, v21  }
0x1c2: {  	[tilespmem:v5+s9+$0x0] =	vst.idx.msk $0xffff, v1;
	v1 =	vmul.f32 v4, v23  }
0x1c3: {  	[tilespmem:v6+s9+$0x0] =	vst.idx.msk $0xffff, v3;
	v3 =	vmul.f32 v4, v24  }
0x1c4: {  	[tilespmem:v8+s9+$0x0] =	vst.idx.msk $0xffff, v1;
	v1 =	vmul.f32 v4, v26  }
0x1c5: {  	[tilespmem:v9+s9+$0x0] =	vst.idx.msk $0xffff, v3;
	v3 =	vmul.f32 v4, v28  }
0x1c6: {  	[tilespmem:v14+s9+$0x0] =	vst.idx.msk $0xffff, v1;
	v1 =	vmul.f32 v4, v29  }
0x1c7: {  	[tilespmem:v16+s9+$0x0] =	vst.idx.msk $0xffff, v3;
	v3 =	vmul.f32 v4, v31  }
0x1c8: {  	[tilespmem:v18+s9+$0x0] =	vst.idx.msk $0xffff, v1;
	v1 =	vmul.f32 v4, v33  }
0x1c9: {  	[tilespmem:v20+s9+$0x0] =	vst.idx.msk $0xffff, v3;
	v3 =	vmul.f32 v4, v35  }
0x1ca: {  	[tilespmem:v22+s9+$0x0] =	vst.idx.msk $0xffff, v1;
	v1 =	vmul.f32 v4, v37  }
0x1cb: {  	[tilespmem:v30+s9+$0x0] =	vst.idx.msk $0xffff, v3;
	v3 =	vmul.f32 v4, v39  }
0x1cc: {  	[tilespmem:v32+s9+$0x0] =	vst.idx.msk $0xffff, v1;
	v1 =	vmul.f32 v4, v41  }
0x1cd: {  	[tilespmem:v34+s9+$0x0] =	vst.idx.msk $0xffff, v3;
	v3 =	vmul.f32 v4, v43  }
0x1ce: {  	[tilespmem:v36+s9+$0x0] =	vst.idx.msk $0xffff, v1;
	v1 =	vmul.f32 v4, v45  }
0x1cf: {  	[tilespmem:v38+s9+$0x0] =	vst.idx.msk $0xffff, v3;
	v3 =	vmul.f32 v4, v47  }
0x1d0: {  	[tilespmem:v40+s9+$0x0] =	vst.idx.msk $0xffff, v1;
	v1 =	vmul.f32 v4, v49  }
0x1d1: {  	[tilespmem:v42+s9+$0x0] =	vst.idx.msk $0xffff, v3;
	v3 =	vmul.f32 v4, v51  }
0x1d2: {  	[tilespmem:v44+s9+$0x0] =	vst.idx.msk $0xffff, v1;
	v1 =	vmul.f32 v4, v53  }
0x1d3: {  	[tilespmem:v46+s9+$0x0] =	vst.idx.msk $0xffff, v3;
	v3 =	vmul.f32 v4, v55  }
0x1d4: {  	[tilespmem:v48+s9+$0x0] =	vst.idx.msk $0xffff, v1;
	v1 =	vmul.f32 v4, v57  }
0x1d5: {  	[tilespmem:v50+s9+$0x0] =	vst.idx.msk $0xffff, v3;
	v3 =	vmul.f32 v4, v59  }
0x1d6: {  	[tilespmem:v52+s9+$0x0] =	vst.idx.msk $0xffff, v1;
	v1 =	vmul.f32 v4, v61  }
0x1d7: {  	[tilespmem:v54+s9+$0x0] =	vst.idx.msk $0xffff, v3;
	v3 =	vmul.f32 v4, v63  }
0x1d8: {  	[tilespmem:v56+s9+$0x0] =	vst.idx.msk $0xffff, v1;
	v1 =	vmul.f32 v4, v2  }
0x1d9: {  	s10 =	sadd.s32 $0x1, s10;
	v0 =	vmul.f32 v4, v0;
	[tilespmem:v58+s9+$0x0] =	vst.idx.msk $0xffff, v3  }
0x1da: {  	p0 =	sne.s32 s10, s6;
	[tilespmem:v60+s9+$0x0] =	vst.idx.msk $0xffff, v1  }
.Ltmp2:
0x1db: {  	[tilespmem:v62+s9+$0x0] =	vst.idx.msk $0xffff, v0;
	(pc) =	sbr.rel @p0 .LBB2_1-.Ltmp2, $4  }
0x1dc: {  	[hbm4b:s5+s2] =	stream.linear.scatter [tilespmem:s9], [sflag:$0x2], $0x10000, $0x38;
	[tilespmem:$0x10200] =	vst v63  }
0x1dd: {  	_ =	swait.ge [sflag:s7], $0x10000  }
0x1de: {  	[sflag:s7] =	ssyncset.done $0x0  }
0x1df: {  	v1 =	vld [tilespmem:$0x1FFF0];
	[sflag:s7] =	ssyncadd.s32 $0xFFFF0000  }
0x1e0: {  	_ =	sfence.sel $0x180000  }
0x1e1: {  	[bflag:$0x0] =	sbarrier.arrive $0xFFFF  }
0x1e2: {  	p0 =	sne.s32 s1, $0x0;
	_ =	strace $0x90000047  }
0x1e3: {  	s0 =	sadd.s32 @!p0 $0x100000, s0;
	[bflag:$0x2] =	sbarrier.arrive $0xFFFF  }
0x1e4: {  	[sflag:s0] =	ssyncadd.tile.s32 @!p0 $0x1;
	_ =	shalt  }
.Lfunc_end2:
_tile_overlayer_lowered:
.L_overlay_start_2:
0x1e5: {  	(tag) =	ssettag $0x2  }
0x1e6: {  	s0 =	rddreg [dreg:$0x0];
	s2 =	stileid.u32  }
0x1e7: {  	s1 =	rddreg [dreg:$0x1];
	p0 =	sne.s32 s2, $0x0  }
0x1e8: {  	s3 =	rddreg [dreg:$0x2];
	[bflag:$0x3] =	sbarrier.arrive $0xFFFF;
	s2 =	simm.s32 @!p0 $0x1C02  }
0x1e9: {  	[timem:s3], [sflag:s2] =	dma.local @!p0 [hbm:s0], s1  }
0x1ea: {  	s0 =	simm.s32 @!p0 $0x2  }
0x1eb: {  	_ =	swait.ge @!p0 [sflag:s0], s1  }
0x1ec: {  	s1 =	ssub.s32 @!p0 $0x0, s1;
	[sflag:s0] =	ssyncset.done @!p0 $0x0  }
0x1ed: {  	[sflag:s0] =	ssyncadd.s32 @!p0 s1  }
0x1ee: {  	[bflag:$0x3] =	sbarrier.arrive $0xFFFF  }
0x1ef: {  	_ =	shalt  }

</sc_bundles>
